<compile_context>
chip_gen: v7x
topology: tpu7x:2x2x1
jax: 0.10.2.dev20260603
libtpu: 0.0.44.dev20260713+nightly
codegen_flags: <defaults>
</compile_context>

<pallas_src>
import functools

import jax
import jax.numpy as jnp
from jax import lax
from jax.experimental import pallas as pl
from jax.experimental.pallas import tpu as pltpu
from jax.experimental.pallas import tpu_sc as plsc

_DIM = 128
_NCLS = 150
_GAMMA = 0.999
_NW = 32
_DSPLIT = 8
_DSUB = _DIM // _DSPLIT
_PSPLIT = _NW // _DSPLIT
_CPAD = 160
_ACC = _DSUB * _CPAD
_CNT_PAD = 160
_PC = 2048

_PSC = 81920
_PB = 8192
_CTC = 256


def _sc_body(spw, pix_per_batch, feat_hbm, lab_hbm, part_out, cnt_out,
             feat_v0, feat_v1, lab_v0, lab_v1, acc_v, cnt_v,
             fsem0, fsem1, lsem0, lsem1):
    c = lax.axis_index("c")
    s = lax.axis_index("s")
    wid = s * 2 + c
    dgrp = wid % _DSPLIT
    pgrp = wid // _DSPLIT
    b = pgrp // 2
    off0 = (pgrp % 2) * spw
    lab0 = b * pix_per_batch + off0
    d0 = dgrp * _DSUB
    nchunks = spw // _PC

    zeros16 = jnp.zeros((16,), jnp.float32)
    ones16 = jnp.ones((16,), jnp.float32)

    def zbody(i, _):
        acc_v[pl.ds(i * 16, 16)] = zeros16
        return 0
    lax.fori_loop(0, _ACC // 16, zbody, 0)
    for i in range(_CNT_PAD // 16):
        cnt_v[pl.ds(i * 16, 16)] = zeros16

    bufs = ((feat_v0, lab_v0, fsem0, lsem0), (feat_v1, lab_v1, fsem1, lsem1))

    def lab_src(g):
        return lab_hbm.at[pl.ds(lab0 + g * _PC, _PC)]

    def feat_src(g):
        return feat_hbm.at[b, pl.ds(d0, _DSUB), pl.ds(off0 + g * _PC, _PC)]

    def start(g, bi):
        fv, lv, fs, ls = bufs[bi]
        pltpu.async_copy(lab_src(g), lv, ls)
        pltpu.async_copy(feat_src(g), fv, fs)

    def wait(g, bi):
        fv, lv, fs, ls = bufs[bi]
        pltpu.make_async_copy(lab_src(g), lv, ls).wait()
        pltpu.make_async_copy(feat_src(g), fv, fs).wait()

    def compute(bi):
        feat_v, lab_v = bufs[bi][0], bufs[bi][1]

        def group_body(j):
            lab16 = lab_v[pl.ds(j, 16)]
            plsc.addupdate_scatter(cnt_v, [lab16], ones16)
            K = 8
            xs = [feat_v[u, pl.ds(j, 16)] for u in range(K)]
            for u0 in range(0, _DSUB, K):
                nxt = u0 + K
                xs_next = ([feat_v[nxt + u, pl.ds(j, 16)] for u in range(K)]
                           if nxt < _DSUB else None)
                for u in range(K):
                    plsc.addupdate_scatter(
                        acc_v, [lab16 + ((u0 + u) * _CPAD)], xs[u])
                xs = xs_next
        plsc.parallel_loop(0, _PC, 16)(group_body)

    start(0, 0)

    def pair_body(gp, _):
        g = 2 * gp
        start(g + 1, 1)
        wait(g, 0)
        compute(0)

        @pl.when(gp < nchunks // 2 - 1)
        def _():
            start(g + 2, 0)
        wait(g + 1, 1)
        compute(1)
        return 0
    lax.fori_loop(0, nchunks // 2, pair_body, 0)

    pltpu.sync_copy(acc_v, part_out.at[wid])
    pltpu.sync_copy(cnt_v, cnt_out.at[wid])


@jax.jit
def _sc_segment_sums(feat3, lab):
    B, D, P = feat3.shape
    mesh = plsc.VectorSubcoreMesh(core_axis_name="c", subcore_axis_name="s")
    body = functools.partial(_sc_body, _PSC // 2, P)
    return pl.kernel(
        body,
        out_type=(
            jax.ShapeDtypeStruct((_NW, _ACC), jnp.float32),
            jax.ShapeDtypeStruct((_NW, _CNT_PAD), jnp.float32),
        ),
        mesh=mesh,
        compiler_params=pltpu.CompilerParams(needs_layout_passes=False),
        scratch_types=[
            pltpu.VMEM((_DSUB, _PC), jnp.float32),
            pltpu.VMEM((_DSUB, _PC), jnp.float32),
            pltpu.VMEM((_PC,), jnp.int32),
            pltpu.VMEM((_PC,), jnp.int32),
            pltpu.VMEM((_ACC,), jnp.float32),
            pltpu.VMEM((_CNT_PAD,), jnp.float32),
            pltpu.SemaphoreType.DMA,
            pltpu.SemaphoreType.DMA,
            pltpu.SemaphoreType.DMA,
            pltpu.SemaphoreType.DMA,
        ],
    )(feat3, lab)


def _tc_mm_body(nb, feat_ref, lab_ref, sums_ref, cnt_ref, acc_sc, cnt_sc):
    b = pl.program_id(0)
    j = pl.program_id(1)

    @pl.when(jnp.logical_and(b == 0, j == 0))
    def _():
        acc_sc[...] = jnp.zeros_like(acc_sc)
        cnt_sc[...] = jnp.zeros_like(cnt_sc)

    lab = lab_ref[0]
    cls = lax.broadcasted_iota(jnp.int32, (_CTC, _PB), 0)
    oh = (lab == cls).astype(jnp.float32)
    f = feat_ref[0]
    acc_sc[...] += lax.dot_general(oh, f, (((1,), (1,)), ((), ())),
                                   preferred_element_type=jnp.float32)
    cnt_sc[...] += jnp.sum(oh, axis=1, keepdims=True)

    @pl.when(jnp.logical_and(b == 1, j == nb - 1))
    def _():
        sums_ref[...] = acc_sc[...]
        cnt_ref[...] = cnt_sc[...]


@jax.jit
def _tc_segment_sums(feat3, lab3):
    B, D, P = feat3.shape
    nb = (P - _PSC) // _PB
    j0 = _PSC // _PB
    return pl.pallas_call(
        functools.partial(_tc_mm_body, nb),
        grid=(B, nb),
        in_specs=[
            pl.BlockSpec((1, D, _PB), lambda b, j: (b, 0, j0 + j)),
            pl.BlockSpec((1, 1, _PB), lambda b, j: (b, 0, j0 + j)),
        ],
        out_specs=[
            pl.BlockSpec((_CTC, D), lambda b, j: (0, 0)),
            pl.BlockSpec((_CTC, 1), lambda b, j: (0, 0)),
        ],
        out_shape=(
            jax.ShapeDtypeStruct((_CTC, D), jnp.float32),
            jax.ShapeDtypeStruct((_CTC, 1), jnp.float32),
        ),
        scratch_shapes=[
            pltpu.VMEM((_CTC, D), jnp.float32),
            pltpu.VMEM((_CTC, 1), jnp.float32),
        ],
        compiler_params=pltpu.CompilerParams(
            dimension_semantics=("arbitrary", "arbitrary")),
    )(feat3, lab3)


def _tc_epilogue_body(part_ref, cnt_ref, tsum_ref, tcnt_ref,
                      proto_ref, uc_ref, outp_ref, outc_ref):
    part = part_ref[...]
    blocks = []
    for dg in range(_DSPLIT):
        acc = part[dg] + part[_DSPLIT + dg] + part[2 * _DSPLIT + dg] \
            + part[3 * _DSPLIT + dg]
        blocks.append(acc)
    sums_t = jnp.concatenate(blocks, axis=0)
    sums = jnp.transpose(sums_t)[:_NCLS, :] + tsum_ref[:_NCLS, :]
    counts = (jnp.sum(cnt_ref[...], axis=1, keepdims=True) * (1.0 / _DSPLIT)
              + tcnt_ref[:_NCLS, :])
    present = counts > 0.0
    proto = sums / jnp.maximum(counts, 1.0)
    nrm = jnp.sqrt(jnp.sum(proto * proto, axis=1, keepdims=True))
    proto_n = proto / jnp.maximum(nrm, 1e-12)
    uc = uc_ref[...]
    g = jnp.where(uc == 0.0, 0.0,
                  jnp.minimum(1.0 - 1.0 / (uc + 1.0), _GAMMA))
    upd = g * proto_ref[...] + (1.0 - g) * proto_n
    newp = jnp.where(present, upd, proto_ref[...])
    nrm2 = jnp.sqrt(jnp.sum(newp * newp, axis=1, keepdims=True))
    outp_ref[...] = newp / jnp.maximum(nrm2, 1e-12)
    outc_ref[...] = uc + present.astype(jnp.float32)


@jax.jit
def _tc_epilogue(part, cnt_t, tsum, tcnt, prototypes, update_count2):
    return pl.pallas_call(
        _tc_epilogue_body,
        out_shape=(
            jax.ShapeDtypeStruct((_NCLS, _DIM), jnp.float32),
            jax.ShapeDtypeStruct((_NCLS, 1), jnp.float32),
        ),
    )(part, cnt_t, tsum, tcnt, prototypes, update_count2)


def kernel(features, labels, prototypes, update_count):
    B, D, H, W = features.shape
    feat3 = features.reshape(B, D, H * W)
    lab = labels.reshape(-1)
    part, cnt = _sc_segment_sums(feat3, lab)
    tsum, tcnt = _tc_segment_sums(feat3, labels.reshape(B, 1, H * W))
    part = part.reshape(_NW, _DSUB, _CPAD)
    cnt_t = cnt[:, :_NCLS].T
    new_proto, new_count2 = _tc_epilogue(part, cnt_t, tsum, tcnt, prototypes,
                                         update_count.reshape(_NCLS, 1))
    return new_proto, new_count2.reshape(-1)

# --- scband reference (transcript-rebuilt; emitter-appended) ---
"""Pipeline reference for scband-proto-37125697307126 (READ-ONLY COPY).

The authoritative reference and input builder live on the scoring server;
editing this copy changes nothing except your own understanding.
"""

import jax, jax.numpy as jnp
import numpy as np

DIM = 128
NUM_CLASSES = 150
TOP_K = 256
GAMMA = 0.999


def _normalize(x, eps=1e-12):
    n = jnp.linalg.norm(x, axis=1, keepdims=True)
    return x / jnp.maximum(n, eps)


def setup_inputs(seed: int = 0) -> dict:
    key = jax.random.key(seed)
    k1, k2, k3 = jax.random.split(key, 3)
    features = jax.random.normal(k1, (2, DIM, 512, 512), dtype=jnp.float32)
    labels = jax.random.randint(k2, (2, 512, 512), 0, NUM_CLASSES, dtype=jnp.int32)
    prototypes = jax.random.normal(k3, (NUM_CLASSES, DIM), dtype=jnp.float32)
    update_count = jnp.zeros((NUM_CLASSES,), dtype=jnp.float32)
    return {"features": features, "labels": labels, "prototypes": prototypes, "update_count": update_count}


def reference(features, labels, prototypes, update_count):
    # features: [B, D, H, W]; labels: [B, H, W] (same spatial size, so the
    # bilinear interpolate in the torch code is the identity).
    B, D, H, W = features.shape
    feats = jnp.transpose(features, (0, 2, 3, 1)).reshape(-1, D)
    lab = labels.reshape(-1)
    # ignore-index mask (255); vectorized via zero-weighting instead of boolean gather
    valid = (lab != 255)
    w = valid.astype(feats.dtype)
    lab_c = jnp.where(valid, lab, 0)
    # per-class mean via scatter-add (segment_sum) -- the memory-bound core op
    sums = jax.ops.segment_sum(feats * w[:, None], lab_c, num_segments=NUM_CLASSES)
    counts = jax.ops.segment_sum(w, lab_c, num_segments=NUM_CLASSES)
    present = counts > 0
    proto = sums / jnp.maximum(counts, 1.0)[:, None]
    proto_n = _normalize(proto)
    # gamma schedule: 0 on first update for a class, else min(1 - 1/(c+1), GAMMA)
    g = jnp.where(update_count == 0, 0.0, jnp.minimum(1.0 - 1.0 / (update_count + 1.0), GAMMA))
    updated = g[:, None] * prototypes + (1.0 - g[:, None]) * proto_n
    new_proto = jnp.where(present[:, None], updated, prototypes)
    new_proto = _normalize(new_proto)
    new_count = update_count + present.astype(update_count.dtype)
    return new_proto, new_count

if __name__ == "__main__":
    import jax
    _d = setup_inputs()
    print(jax.jit(kernel)(*tuple(_d.values())))

</pallas_src>

<mosaic_0001>
#map = affine_map<(d0, d1) -> (0, 0, 0)>
#map1 = affine_map<(d0, d1) -> (0)>
#map2 = affine_map<(d0, d1) -> (0, 0)>
module attributes {stable_mosaic.version = 14 : i64} {
  func.func @_sc_body(%arg0: i32, %arg1: i32, %arg2: memref<2x128x262144xf32, #tpu.memory_space<hbm>>, %arg3: memref<524288xi32, #tpu.memory_space<hbm>>, %arg4: memref<32x2560xf32, #tpu.memory_space<hbm>>, %arg5: memref<32x160xf32, #tpu.memory_space<hbm>>, %arg6: memref<16x2048xf32, #tpu.memory_space<vmem>>, %arg7: memref<16x2048xf32, #tpu.memory_space<vmem>>, %arg8: memref<2048xi32, #tpu.memory_space<vmem>>, %arg9: memref<2048xi32, #tpu.memory_space<vmem>>, %arg10: memref<2560xf32, #tpu.memory_space<vmem>>, %arg11: memref<160xf32, #tpu.memory_space<vmem>>, %arg12: memref<!tpu.dma_semaphore, #tpu.memory_space<semaphore_mem>>, %arg13: memref<!tpu.dma_semaphore, #tpu.memory_space<semaphore_mem>>, %arg14: memref<!tpu.dma_semaphore, #tpu.memory_space<semaphore_mem>>, %arg15: memref<!tpu.dma_semaphore, #tpu.memory_space<semaphore_mem>>) attributes {dimension_semantics = [#tpu.dimension_semantics<core_parallel>, #tpu.dimension_semantics<subcore_parallel>], iteration_bounds = array<i64: 2, 16>, scalar_prefetch = 0 : i64, scratch_operands = 10 : i64, tpu.core_type = #tpu.core_type<sc_vector_subcore>, window_params = [{transform_indices = #map}, {transform_indices = #map1}, {transform_indices = #map2}, {transform_indices = #map2}]} {
    %mul3A = arith.constant 2 : i32
    %mul3A_0 = arith.muli %arg1, %mul3A : i32
    %add3A = arith.addi %mul3A_0, %arg0 : i32
    %jit3A = arith.constant 8 : i32
    %eq3A = arith.constant 0 : i32
    %eq3A_1 = arith.cmpi eq, %jit3A, %eq3A : i32
    %jit3A_2 = arith.constant 1 : i32
    %select_n3A = arith.select %eq3A_1, %jit3A_2, %jit3A : i32
    %rem3A = arith.remsi %add3A, %select_n3A : i32
    %ne3A = arith.constant 0 : i32
    %ne3A_3 = arith.cmpi ne, %rem3A, %ne3A : i32
    %lt3A = arith.constant 0 : i32
    %lt3A_4 = arith.cmpi slt, %rem3A, %lt3A : i32
    %lt3A_5 = arith.constant 0 : i32
    %lt3A_6 = arith.cmpi slt, %select_n3A, %lt3A_5 : i32
    %ne3A_7 = arith.xori %lt3A_4, %lt3A_6 : i1
    %and3A = arith.andi %ne3A_7, %ne3A_3 : i1
    %add3A_8 = arith.addi %rem3A, %select_n3A : i32
    %select_n3A_9 = arith.select %and3A, %add3A_8, %rem3A : i32
    %jit3A_10 = arith.constant 8 : i32
    %div3A = arith.divsi %add3A, %jit3A_10 : i32
    %sign3A = arith.constant 0 : i32
    %sign3A_11 = arith.cmpi sgt, %add3A, %sign3A : i32
    %sign3A_12 = arith.extui %sign3A_11 : i1 to i32
    %sign3A_13 = arith.constant 0 : i32
    %sign3A_14 = arith.cmpi slt, %add3A, %sign3A_13 : i32
    %sign3A_15 = arith.extui %sign3A_14 : i1 to i32
    %sign3A_16 = arith.subi %sign3A_12, %sign3A_15 : i32
    %sign3A_17 = arith.constant 0 : i32
    %sign3A_18 = arith.cmpi sgt, %jit3A_10, %sign3A_17 : i32
    %sign3A_19 = arith.extui %sign3A_18 : i1 to i32
    %sign3A_20 = arith.constant 0 : i32
    %sign3A_21 = arith.cmpi slt, %jit3A_10, %sign3A_20 : i32
    %sign3A_22 = arith.extui %sign3A_21 : i1 to i32
    %sign3A_23 = arith.subi %sign3A_19, %sign3A_22 : i32
    %ne3A_24 = arith.cmpi ne, %sign3A_16, %sign3A_23 : i32
    %rem3A_25 = arith.remsi %add3A, %jit3A_10 : i32
    %ne3A_26 = arith.constant 0 : i32
    %ne3A_27 = arith.cmpi ne, %rem3A_25, %ne3A_26 : i32
    %and3A_28 = arith.andi %ne3A_24, %ne3A_27 : i1
    %sub3A = arith.constant 1 : i32
    %sub3A_29 = arith.subi %div3A, %sub3A : i32
    %select_n3A_30 = arith.select %and3A_28, %sub3A_29, %div3A : i32
    %jit3A_31 = arith.constant 2 : i32
    %div3A_32 = arith.divsi %select_n3A_30, %jit3A_31 : i32
    %sign3A_33 = arith.constant 0 : i32
    %sign3A_34 = arith.cmpi sgt, %select_n3A_30, %sign3A_33 : i32
    %sign3A_35 = arith.extui %sign3A_34 : i1 to i32
    %sign3A_36 = arith.constant 0 : i32
    %sign3A_37 = arith.cmpi slt, %select_n3A_30, %sign3A_36 : i32
    %sign3A_38 = arith.extui %sign3A_37 : i1 to i32
    %sign3A_39 = arith.subi %sign3A_35, %sign3A_38 : i32
    %sign3A_40 = arith.constant 0 : i32
    %sign3A_41 = arith.cmpi sgt, %jit3A_31, %sign3A_40 : i32
    %sign3A_42 = arith.extui %sign3A_41 : i1 to i32
    %sign3A_43 = arith.constant 0 : i32
    %sign3A_44 = arith.cmpi slt, %jit3A_31, %sign3A_43 : i32
    %sign3A_45 = arith.extui %sign3A_44 : i1 to i32
    %sign3A_46 = arith.subi %sign3A_42, %sign3A_45 : i32
    %ne3A_47 = arith.cmpi ne, %sign3A_39, %sign3A_46 : i32
    %rem3A_48 = arith.remsi %select_n3A_30, %jit3A_31 : i32
    %ne3A_49 = arith.constant 0 : i32
    %ne3A_50 = arith.cmpi ne, %rem3A_48, %ne3A_49 : i32
    %and3A_51 = arith.andi %ne3A_47, %ne3A_50 : i1
    %sub3A_52 = arith.constant 1 : i32
    %sub3A_53 = arith.subi %div3A_32, %sub3A_52 : i32
    %select_n3A_54 = arith.select %and3A_51, %sub3A_53, %div3A_32 : i32
    %jit3A_55 = arith.constant 2 : i32
    %eq3A_56 = arith.constant 0 : i32
    %eq3A_57 = arith.cmpi eq, %jit3A_55, %eq3A_56 : i32
    %jit3A_58 = arith.constant 1 : i32
    %select_n3A_59 = arith.select %eq3A_57, %jit3A_58, %jit3A_55 : i32
    %rem3A_60 = arith.remsi %select_n3A_30, %select_n3A_59 : i32
    %ne3A_61 = arith.constant 0 : i32
    %ne3A_62 = arith.cmpi ne, %rem3A_60, %ne3A_61 : i32
    %lt3A_63 = arith.constant 0 : i32
    %lt3A_64 = arith.cmpi slt, %rem3A_60, %lt3A_63 : i32
    %lt3A_65 = arith.constant 0 : i32
    %lt3A_66 = arith.cmpi slt, %select_n3A_59, %lt3A_65 : i32
    %ne3A_67 = arith.xori %lt3A_64, %lt3A_66 : i1
    %and3A_68 = arith.andi %ne3A_67, %ne3A_62 : i1
    %add3A_69 = arith.addi %rem3A_60, %select_n3A_59 : i32
    %select_n3A_70 = arith.select %and3A_68, %add3A_69, %rem3A_60 : i32
    %mul3A_71 = arith.constant 40960 : i32
    %mul3A_72 = arith.muli %select_n3A_70, %mul3A_71 : i32
    %mul3A_73 = arith.constant 262144 : i32
    %mul3A_74 = arith.muli %select_n3A_54, %mul3A_73 : i32
    %add3A_75 = arith.addi %mul3A_74, %mul3A_72 : i32
    %mul3A_76 = arith.constant 16 : i32
    %mul3A_77 = arith.muli %select_n3A_9, %mul3A_76 : i32
    %broadcast_in_dim3A = arith.constant 0.000000e+00 : f32
    %broadcast_in_dim3A_78 = vector.broadcast %broadcast_in_dim3A : f32 to vector<16xf32>
    %broadcast_in_dim3A_79 = arith.constant 1.000000e+00 : f32
    %broadcast_in_dim3A_80 = vector.broadcast %broadcast_in_dim3A_79 : f32 to vector<16xf32>
    %scan3A = arith.constant 0 : i32
    %scan3A_81 = arith.constant 0 : i32
    %scan3A_82 = arith.constant 160 : i32
    %scan3A_83 = arith.addi %scan3A_81, %scan3A_82 : i32
    %scan3A_84 = arith.constant 1 : i32
    %scan3A_85 = scf.for %scan3A_122 = %scan3A_81 to %scan3A_83 step %scan3A_84 iter_args(%scan3A_123 = %scan3A) -> (i32)  : i32 {
      %mul3A_124 = arith.constant 16 : i32
      %mul3A_125 = arith.muli %scan3A_122, %mul3A_124 : i32
      %swap3A_126 = arith.index_cast %mul3A_125 : i32 to index
      %swap3A_127 = tpu.vector_load %arg10[%swap3A_126] {strides = array<i32>} : memref<2560xf32, #tpu.memory_space<vmem>>, vector<16xf32>,
      tpu.vector_store %arg10[%swap3A_126], %broadcast_in_dim3A_78 {strides = array<i32>} : memref<2560xf32, #tpu.memory_space<vmem>>, vector<16xf32>,
      %scan3A_128 = arith.constant 0 : i32
      scf.yield %scan3A_128 : i32
    }
    %scan3A_86 = arith.constant 160 : i32
    %swap3A = arith.constant 0 : index
    %swap3A_87 = tpu.vector_load %arg11[%swap3A] {strides = array<i32>} : memref<160xf32, #tpu.memory_space<vmem>>, vector<16xf32>,
    tpu.vector_store %arg11[%swap3A], %broadcast_in_dim3A_78 {strides = array<i32>} : memref<160xf32, #tpu.memory_space<vmem>>, vector<16xf32>,
    %swap3A_88 = arith.constant 16 : index
    %swap3A_89 = tpu.vector_load %arg11[%swap3A_88] {strides = array<i32>} : memref<160xf32, #tpu.memory_space<vmem>>, vector<16xf32>,
    tpu.vector_store %arg11[%swap3A_88], %broadcast_in_dim3A_78 {strides = array<i32>} : memref<160xf32, #tpu.memory_space<vmem>>, vector<16xf32>,
    %swap3A_90 = arith.constant 32 : index
    %swap3A_91 = tpu.vector_load %arg11[%swap3A_90] {strides = array<i32>} : memref<160xf32, #tpu.memory_space<vmem>>, vector<16xf32>,
    tpu.vector_store %arg11[%swap3A_90], %broadcast_in_dim3A_78 {strides = array<i32>} : memref<160xf32, #tpu.memory_space<vmem>>, vector<16xf32>,
    %swap3A_92 = arith.constant 48 : index
    %swap3A_93 = tpu.vector_load %arg11[%swap3A_92] {strides = array<i32>} : memref<160xf32, #tpu.memory_space<vmem>>, vector<16xf32>,
    tpu.vector_store %arg11[%swap3A_92], %broadcast_in_dim3A_78 {strides = array<i32>} : memref<160xf32, #tpu.memory_space<vmem>>, vector<16xf32>,
    %swap3A_94 = arith.constant 64 : index
    %swap3A_95 = tpu.vector_load %arg11[%swap3A_94] {strides = array<i32>} : memref<160xf32, #tpu.memory_space<vmem>>, vector<16xf32>,
    tpu.vector_store %arg11[%swap3A_94], %broadcast_in_dim3A_78 {strides = array<i32>} : memref<160xf32, #tpu.memory_space<vmem>>, vector<16xf32>,
    %swap3A_96 = arith.constant 80 : index
    %swap3A_97 = tpu.vector_load %arg11[%swap3A_96] {strides = array<i32>} : memref<160xf32, #tpu.memory_space<vmem>>, vector<16xf32>,
    tpu.vector_store %arg11[%swap3A_96], %broadcast_in_dim3A_78 {strides = array<i32>} : memref<160xf32, #tpu.memory_space<vmem>>, vector<16xf32>,
    %swap3A_98 = arith.constant 96 : index
    %swap3A_99 = tpu.vector_load %arg11[%swap3A_98] {strides = array<i32>} : memref<160xf32, #tpu.memory_space<vmem>>, vector<16xf32>,
    tpu.vector_store %arg11[%swap3A_98], %broadcast_in_dim3A_78 {strides = array<i32>} : memref<160xf32, #tpu.memory_space<vmem>>, vector<16xf32>,
    %swap3A_100 = arith.constant 112 : index
    %swap3A_101 = tpu.vector_load %arg11[%swap3A_100] {strides = array<i32>} : memref<160xf32, #tpu.memory_space<vmem>>, vector<16xf32>,
    tpu.vector_store %arg11[%swap3A_100], %broadcast_in_dim3A_78 {strides = array<i32>} : memref<160xf32, #tpu.memory_space<vmem>>, vector<16xf32>,
    %swap3A_102 = arith.constant 128 : index
    %swap3A_103 = tpu.vector_load %arg11[%swap3A_102] {strides = array<i32>} : memref<160xf32, #tpu.memory_space<vmem>>, vector<16xf32>,
    tpu.vector_store %arg11[%swap3A_102], %broadcast_in_dim3A_78 {strides = array<i32>} : memref<160xf32, #tpu.memory_space<vmem>>, vector<16xf32>,
    %swap3A_104 = arith.constant 144 : index
    %swap3A_105 = tpu.vector_load %arg11[%swap3A_104] {strides = array<i32>} : memref<160xf32, #tpu.memory_space<vmem>>, vector<16xf32>,
    tpu.vector_store %arg11[%swap3A_104], %broadcast_in_dim3A_78 {strides = array<i32>} : memref<160xf32, #tpu.memory_space<vmem>>, vector<16xf32>,
    %add3A_106 = arith.constant 0 : i32
    %add3A_107 = arith.addi %add3A_75, %add3A_106 : i32
    %dma_start3A = tpu.memref_slice %arg3[%add3A_107] : memref<524288xi32, #tpu.memory_space<hbm>> -> memref<2048xi32, #tpu.memory_space<hbm>>
    %dma_start3A_108 = tpu.memref_slice %arg3[%add3A_107] : memref<524288xi32, #tpu.memory_space<hbm>> -> memref<2048xi32, #tpu.memory_space<hbm>>
    tpu.enqueue_dma source(%dma_start3A_108 : memref<2048xi32, #tpu.memory_space<hbm>>) target(%arg8 : memref<2048xi32, #tpu.memory_space<vmem>>) target_semaphore(%arg14 : memref<!tpu.dma_semaphore, #tpu.memory_space<semaphore_mem>>)
    %add3A_109 = arith.constant 0 : i32
    %add3A_110 = arith.addi %mul3A_72, %add3A_109 : i32
    %dma_start3A_111 = tpu.memref_slice %arg2[%select_n3A_54, %mul3A_77, %add3A_110] : memref<2x128x262144xf32, #tpu.memory_space<hbm>> -> memref<1x16x2048xf32, #tpu.memory_space<hbm>>
    %dma_start3A_112 = tpu.memref_squeeze %dma_start3A_111 : memref<1x16x2048xf32, #tpu.memory_space<hbm>> -> memref<16x2048xf32, #tpu.memory_space<hbm>>
    %dma_start3A_113 = tpu.memref_slice %arg2[%select_n3A_54, %mul3A_77, %add3A_110] : memref<2x128x262144xf32, #tpu.memory_space<hbm>> -> memref<1x16x2048xf32, #tpu.memory_space<hbm>>
    %dma_start3A_114 = tpu.memref_squeeze %dma_start3A_113 : memref<1x16x2048xf32, #tpu.memory_space<hbm>> -> memref<16x2048xf32, #tpu.memory_space<hbm>>
    tpu.enqueue_dma source(%dma_start3A_114 : memref<16x2048xf32, #tpu.memory_space<hbm>>) target(%arg6 : memref<16x2048xf32, #tpu.memory_space<vmem>>) target_semaphore(%arg12 : memref<!tpu.dma_semaphore, #tpu.memory_space<semaphore_mem>>)
    %scan3A_115 = arith.constant 0 : i32
    %scan3A_116 = arith.constant 0 : i32
    %scan3A_117 = arith.constant 10 : i32
    %scan3A_118 = arith.addi %scan3A_116, %scan3A_117 : i32
    %scan3A_119 = arith.constant 1 : i32
    %scan3A_120 = scf.for %scan3A_122 = %scan3A_116 to %scan3A_118 step %scan3A_119 iter_args(%scan3A_123 = %scan3A_115) -> (i32)  : i32 {
      %mul3A_124 = arith.constant 2 : i32
      %mul3A_125 = arith.muli %mul3A_124, %scan3A_122 : i32
      %add3A_126 = arith.constant 1 : i32
      %add3A_127 = arith.addi %mul3A_125, %add3A_126 : i32
      %mul3A_128 = arith.constant 2048 : i32
      %mul3A_129 = arith.muli %add3A_127, %mul3A_128 : i32
      %add3A_130 = arith.addi %add3A_75, %mul3A_129 : i32
      %dma_start3A_131 = tpu.memref_slice %arg3[%add3A_130] : memref<524288xi32, #tpu.memory_space<hbm>> -> memref<2048xi32, #tpu.memory_space<hbm>>
      %dma_start3A_132 = tpu.memref_slice %arg3[%add3A_130] : memref<524288xi32, #tpu.memory_space<hbm>> -> memref<2048xi32, #tpu.memory_space<hbm>>
      tpu.enqueue_dma source(%dma_start3A_132 : memref<2048xi32, #tpu.memory_space<hbm>>) target(%arg9 : memref<2048xi32, #tpu.memory_space<vmem>>) target_semaphore(%arg15 : memref<!tpu.dma_semaphore, #tpu.memory_space<semaphore_mem>>)
      %mul3A_133 = arith.constant 2048 : i32
      %mul3A_134 = arith.muli %add3A_127, %mul3A_133 : i32
      %add3A_135 = arith.addi %mul3A_72, %mul3A_134 : i32
      %dma_start3A_136 = tpu.memref_slice %arg2[%select_n3A_54, %mul3A_77, %add3A_135] : memref<2x128x262144xf32, #tpu.memory_space<hbm>> -> memref<1x16x2048xf32, #tpu.memory_space<hbm>>
      %dma_start3A_137 = tpu.memref_squeeze %dma_start3A_136 : memref<1x16x2048xf32, #tpu.memory_space<hbm>> -> memref<16x2048xf32, #tpu.memory_space<hbm>>
      %dma_start3A_138 = tpu.memref_slice %arg2[%select_n3A_54, %mul3A_77, %add3A_135] : memref<2x128x262144xf32, #tpu.memory_space<hbm>> -> memref<1x16x2048xf32, #tpu.memory_space<hbm>>
      %dma_start3A_139 = tpu.memref_squeeze %dma_start3A_138 : memref<1x16x2048xf32, #tpu.memory_space<hbm>> -> memref<16x2048xf32, #tpu.memory_space<hbm>>
      tpu.enqueue_dma source(%dma_start3A_139 : memref<16x2048xf32, #tpu.memory_space<hbm>>) target(%arg7 : memref<16x2048xf32, #tpu.memory_space<vmem>>) target_semaphore(%arg13 : memref<!tpu.dma_semaphore, #tpu.memory_space<semaphore_mem>>)
      %mul3A_140 = arith.constant 2048 : i32
      %mul3A_141 = arith.muli %mul3A_125, %mul3A_140 : i32
      %add3A_142 = arith.addi %add3A_75, %mul3A_141 : i32
      %dma_wait3A = tpu.memref_slice %arg3[%add3A_142] : memref<524288xi32, #tpu.memory_space<hbm>> -> memref<2048xi32, #tpu.memory_space<hbm>>
      %dma_wait3A_143 = tpu.memref_slice %arg3[%add3A_142] : memref<524288xi32, #tpu.memory_space<hbm>> -> memref<2048xi32, #tpu.memory_space<hbm>>
      tpu.wait_dma2 semaphore(%arg14 : memref<!tpu.dma_semaphore, #tpu.memory_space<semaphore_mem>>) src(%dma_wait3A_143 : memref<2048xi32, #tpu.memory_space<hbm>>) dst(%arg8 : memref<2048xi32, #tpu.memory_space<vmem>>)
      %mul3A_144 = arith.constant 2048 : i32
      %mul3A_145 = arith.muli %mul3A_125, %mul3A_144 : i32
      %add3A_146 = arith.addi %mul3A_72, %mul3A_145 : i32
      %dma_wait3A_147 = tpu.memref_slice %arg2[%select_n3A_54, %mul3A_77, %add3A_146] : memref<2x128x262144xf32, #tpu.memory_space<hbm>> -> memref<1x16x2048xf32, #tpu.memory_space<hbm>>
      %dma_wait3A_148 = tpu.memref_squeeze %dma_wait3A_147 : memref<1x16x2048xf32, #tpu.memory_space<hbm>> -> memref<16x2048xf32, #tpu.memory_space<hbm>>
      %dma_wait3A_149 = tpu.memref_slice %arg2[%select_n3A_54, %mul3A_77, %add3A_146] : memref<2x128x262144xf32, #tpu.memory_space<hbm>> -> memref<1x16x2048xf32, #tpu.memory_space<hbm>>
      %dma_wait3A_150 = tpu.memref_squeeze %dma_wait3A_149 : memref<1x16x2048xf32, #tpu.memory_space<hbm>> -> memref<16x2048xf32, #tpu.memory_space<hbm>>
      tpu.wait_dma2 semaphore(%arg12 : memref<!tpu.dma_semaphore, #tpu.memory_space<semaphore_mem>>) src(%dma_wait3A_150 : memref<16x2048xf32, #tpu.memory_space<hbm>>) dst(%arg6 : memref<16x2048xf32, #tpu.memory_space<vmem>>)
      %parallel_loop3A = arith.constant 0 : i32
      %parallel_loop3A_151 = arith.constant 2048 : i32
      %parallel_loop3A_152 = arith.constant 16 : i32
      scf.for %parallel_loop3A_174 = %parallel_loop3A to %parallel_loop3A_151 step %parallel_loop3A_152  : i32 {
        %parallel_loop3A_175 = arith.index_cast %parallel_loop3A_174 : i32 to index
        %parallel_loop3A_176 = tpu.vector_load %arg8[%parallel_loop3A_175] {strides = array<i32>} : memref<2048xi32, #tpu.memory_space<vmem>>, vector<16xi32>,
        tpu.vector_store_idx %arg11[%parallel_loop3A_176], %broadcast_in_dim3A_80 {add = true} : memref<160xf32, #tpu.memory_space<vmem>>[vector<16xi32>], vector<16xf32>,
        %parallel_loop3A_177 = arith.constant 0 : i32
        %parallel_loop3A_178 = arith.index_cast %parallel_loop3A_177 : i32 to index
        %parallel_loop3A_179 = arith.index_cast %parallel_loop3A_174 : i32 to index
        %parallel_loop3A_180 = tpu.vector_load %arg6[%parallel_loop3A_178, %parallel_loop3A_179] {strides = array<i32>} : memref<16x2048xf32, #tpu.memory_space<vmem>>, vector<16xf32>,
        %parallel_loop3A_181 = arith.constant 1 : i32
        %parallel_loop3A_182 = arith.index_cast %parallel_loop3A_181 : i32 to index
        %parallel_loop3A_183 = arith.index_cast %parallel_loop3A_174 : i32 to index
        %parallel_loop3A_184 = tpu.vector_load %arg6[%parallel_loop3A_182, %parallel_loop3A_183] {strides = array<i32>} : memref<16x2048xf32, #tpu.memory_space<vmem>>, vector<16xf32>,
        %parallel_loop3A_185 = arith.constant 2 : i32
        %parallel_loop3A_186 = arith.index_cast %parallel_loop3A_185 : i32 to index
        %parallel_loop3A_187 = arith.index_cast %parallel_loop3A_174 : i32 to index
        %parallel_loop3A_188 = tpu.vector_load %arg6[%parallel_loop3A_186, %parallel_loop3A_187] {strides = array<i32>} : memref<16x2048xf32, #tpu.memory_space<vmem>>, vector<16xf32>,
        %parallel_loop3A_189 = arith.constant 3 : i32
        %parallel_loop3A_190 = arith.index_cast %parallel_loop3A_189 : i32 to index
        %parallel_loop3A_191 = arith.index_cast %parallel_loop3A_174 : i32 to index
        %parallel_loop3A_192 = tpu.vector_load %arg6[%parallel_loop3A_190, %parallel_loop3A_191] {strides = array<i32>} : memref<16x2048xf32, #tpu.memory_space<vmem>>, vector<16xf32>,
        %parallel_loop3A_193 = arith.constant 4 : i32
        %parallel_loop3A_194 = arith.index_cast %parallel_loop3A_193 : i32 to index
        %parallel_loop3A_195 = arith.index_cast %parallel_loop3A_174 : i32 to index
        %parallel_loop3A_196 = tpu.vector_load %arg6[%parallel_loop3A_194, %parallel_loop3A_195] {strides = array<i32>} : memref<16x2048xf32, #tpu.memory_space<vmem>>, vector<16xf32>,
        %parallel_loop3A_197 = arith.constant 5 : i32
        %parallel_loop3A_198 = arith.index_cast %parallel_loop3A_197 : i32 to index
        %parallel_loop3A_199 = arith.index_cast %parallel_loop3A_174 : i32 to index
        %parallel_loop3A_200 = tpu.vector_load %arg6[%parallel_loop3A_198, %parallel_loop3A_199] {strides = array<i32>} : memref<16x2048xf32, #tpu.memory_space<vmem>>, vector<16xf32>,
        %parallel_loop3A_201 = arith.constant 6 : i32
        %parallel_loop3A_202 = arith.index_cast %parallel_loop3A_201 : i32 to index
        %parallel_loop3A_203 = arith.index_cast %parallel_loop3A_174 : i32 to index
        %parallel_loop3A_204 = tpu.vector_load %arg6[%parallel_loop3A_202, %parallel_loop3A_203] {strides = array<i32>} : memref<16x2048xf32, #tpu.memory_space<vmem>>, vector<16xf32>,
        %parallel_loop3A_205 = arith.constant 7 : i32
        %parallel_loop3A_206 = arith.index_cast %parallel_loop3A_205 : i32 to index
        %parallel_loop3A_207 = arith.index_cast %parallel_loop3A_174 : i32 to index
        %parallel_loop3A_208 = tpu.vector_load %arg6[%parallel_loop3A_206, %parallel_loop3A_207] {strides = array<i32>} : memref<16x2048xf32, #tpu.memory_space<vmem>>, vector<16xf32>,
        %parallel_loop3A_209 = arith.constant 8 : i32
        %parallel_loop3A_210 = arith.index_cast %parallel_loop3A_209 : i32 to index
        %parallel_loop3A_211 = arith.index_cast %parallel_loop3A_174 : i32 to index
        %parallel_loop3A_212 = tpu.vector_load %arg6[%parallel_loop3A_210, %parallel_loop3A_211] {strides = array<i32>} : memref<16x2048xf32, #tpu.memory_space<vmem>>, vector<16xf32>,
        %parallel_loop3A_213 = arith.constant 9 : i32
        %parallel_loop3A_214 = arith.index_cast %parallel_loop3A_213 : i32 to index
        %parallel_loop3A_215 = arith.index_cast %parallel_loop3A_174 : i32 to index
        %parallel_loop3A_216 = tpu.vector_load %arg6[%parallel_loop3A_214, %parallel_loop3A_215] {strides = array<i32>} : memref<16x2048xf32, #tpu.memory_space<vmem>>, vector<16xf32>,
        %parallel_loop3A_217 = arith.constant 10 : i32
        %parallel_loop3A_218 = arith.index_cast %parallel_loop3A_217 : i32 to index
        %parallel_loop3A_219 = arith.index_cast %parallel_loop3A_174 : i32 to index
        %parallel_loop3A_220 = tpu.vector_load %arg6[%parallel_loop3A_218, %parallel_loop3A_219] {strides = array<i32>} : memref<16x2048xf32, #tpu.memory_space<vmem>>, vector<16xf32>,
        %parallel_loop3A_221 = arith.constant 11 : i32
        %parallel_loop3A_222 = arith.index_cast %parallel_loop3A_221 : i32 to index
        %parallel_loop3A_223 = arith.index_cast %parallel_loop3A_174 : i32 to index
        %parallel_loop3A_224 = tpu.vector_load %arg6[%parallel_loop3A_222, %parallel_loop3A_223] {strides = array<i32>} : memref<16x2048xf32, #tpu.memory_space<vmem>>, vector<16xf32>,
        %parallel_loop3A_225 = arith.constant 12 : i32
        %parallel_loop3A_226 = arith.index_cast %parallel_loop3A_225 : i32 to index
        %parallel_loop3A_227 = arith.index_cast %parallel_loop3A_174 : i32 to index
        %parallel_loop3A_228 = tpu.vector_load %arg6[%parallel_loop3A_226, %parallel_loop3A_227] {strides = array<i32>} : memref<16x2048xf32, #tpu.memory_space<vmem>>, vector<16xf32>,
        %parallel_loop3A_229 = arith.constant 13 : i32
        %parallel_loop3A_230 = arith.index_cast %parallel_loop3A_229 : i32 to index
        %parallel_loop3A_231 = arith.index_cast %parallel_loop3A_174 : i32 to index
        %parallel_loop3A_232 = tpu.vector_load %arg6[%parallel_loop3A_230, %parallel_loop3A_231] {strides = array<i32>} : memref<16x2048xf32, #tpu.memory_space<vmem>>, vector<16xf32>,
        %parallel_loop3A_233 = arith.constant 14 : i32
        %parallel_loop3A_234 = arith.index_cast %parallel_loop3A_233 : i32 to index
        %parallel_loop3A_235 = arith.index_cast %parallel_loop3A_174 : i32 to index
        %parallel_loop3A_236 = tpu.vector_load %arg6[%parallel_loop3A_234, %parallel_loop3A_235] {strides = array<i32>} : memref<16x2048xf32, #tpu.memory_space<vmem>>, vector<16xf32>,
        %parallel_loop3A_237 = arith.constant 15 : i32
        %parallel_loop3A_238 = arith.index_cast %parallel_loop3A_237 : i32 to index
        %parallel_loop3A_239 = arith.index_cast %parallel_loop3A_174 : i32 to index
        %parallel_loop3A_240 = tpu.vector_load %arg6[%parallel_loop3A_238, %parallel_loop3A_239] {strides = array<i32>} : memref<16x2048xf32, #tpu.memory_space<vmem>>, vector<16xf32>,
        %parallel_loop3A_241 = arith.constant 0 : i32
        %parallel_loop3A_242 = vector.broadcast %parallel_loop3A_241 : i32 to vector<16xi32>
        %parallel_loop3A_243 = arith.addi %parallel_loop3A_176, %parallel_loop3A_242 : vector<16xi32>
        tpu.vector_store_idx %arg10[%parallel_loop3A_243], %parallel_loop3A_180 {add = true} : memref<2560xf32, #tpu.memory_space<vmem>>[vector<16xi32>], vector<16xf32>,
        %parallel_loop3A_244 = arith.constant 160 : i32
        %parallel_loop3A_245 = vector.broadcast %parallel_loop3A_244 : i32 to vector<16xi32>
        %parallel_loop3A_246 = arith.addi %parallel_loop3A_176, %parallel_loop3A_245 : vector<16xi32>
        tpu.vector_store_idx %arg10[%parallel_loop3A_246], %parallel_loop3A_184 {add = true} : memref<2560xf32, #tpu.memory_space<vmem>>[vector<16xi32>], vector<16xf32>,
        %parallel_loop3A_247 = arith.constant 320 : i32
        %parallel_loop3A_248 = vector.broadcast %parallel_loop3A_247 : i32 to vector<16xi32>
        %parallel_loop3A_249 = arith.addi %parallel_loop3A_176, %parallel_loop3A_248 : vector<16xi32>
        tpu.vector_store_idx %arg10[%parallel_loop3A_249], %parallel_loop3A_188 {add = true} : memref<2560xf32, #tpu.memory_space<vmem>>[vector<16xi32>], vector<16xf32>,
        %parallel_loop3A_250 = arith.constant 480 : i32
        %parallel_loop3A_251 = vector.broadcast %parallel_loop3A_250 : i32 to vector<16xi32>
        %parallel_loop3A_252 = arith.addi %parallel_loop3A_176, %parallel_loop3A_251 : vector<16xi32>
        tpu.vector_store_idx %arg10[%parallel_loop3A_252], %parallel_loop3A_192 {add = true} : memref<2560xf32, #tpu.memory_space<vmem>>[vector<16xi32>], vector<16xf32>,
        %parallel_loop3A_253 = arith.constant 640 : i32
        %parallel_loop3A_254 = vector.broadcast %parallel_loop3A_253 : i32 to vector<16xi32>
        %parallel_loop3A_255 = arith.addi %parallel_loop3A_176, %parallel_loop3A_254 : vector<16xi32>
        tpu.vector_store_idx %arg10[%parallel_loop3A_255], %parallel_loop3A_196 {add = true} : memref<2560xf32, #tpu.memory_space<vmem>>[vector<16xi32>], vector<16xf32>,
        %parallel_loop3A_256 = arith.constant 800 : i32
        %parallel_loop3A_257 = vector.broadcast %parallel_loop3A_256 : i32 to vector<16xi32>
        %parallel_loop3A_258 = arith.addi %parallel_loop3A_176, %parallel_loop3A_257 : vector<16xi32>
        tpu.vector_store_idx %arg10[%parallel_loop3A_258], %parallel_loop3A_200 {add = true} : memref<2560xf32, #tpu.memory_space<vmem>>[vector<16xi32>], vector<16xf32>,
        %parallel_loop3A_259 = arith.constant 960 : i32
        %parallel_loop3A_260 = vector.broadcast %parallel_loop3A_259 : i32 to vector<16xi32>
        %parallel_loop3A_261 = arith.addi %parallel_loop3A_176, %parallel_loop3A_260 : vector<16xi32>
        tpu.vector_store_idx %arg10[%parallel_loop3A_261], %parallel_loop3A_204 {add = true} : memref<2560xf32, #tpu.memory_space<vmem>>[vector<16xi32>], vector<16xf32>,
        %parallel_loop3A_262 = arith.constant 1120 : i32
        %parallel_loop3A_263 = vector.broadcast %parallel_loop3A_262 : i32 to vector<16xi32>
        %parallel_loop3A_264 = arith.addi %parallel_loop3A_176, %parallel_loop3A_263 : vector<16xi32>
        tpu.vector_store_idx %arg10[%parallel_loop3A_264], %parallel_loop3A_208 {add = true} : memref<2560xf32, #tpu.memory_space<vmem>>[vector<16xi32>], vector<16xf32>,
        %parallel_loop3A_265 = arith.constant 1280 : i32
        %parallel_loop3A_266 = vector.broadcast %parallel_loop3A_265 : i32 to vector<16xi32>
        %parallel_loop3A_267 = arith.addi %parallel_loop3A_176, %parallel_loop3A_266 : vector<16xi32>
        tpu.vector_store_idx %arg10[%parallel_loop3A_267], %parallel_loop3A_212 {add = true} : memref<2560xf32, #tpu.memory_space<vmem>>[vector<16xi32>], vector<16xf32>,
        %parallel_loop3A_268 = arith.constant 1440 : i32
        %parallel_loop3A_269 = vector.broadcast %parallel_loop3A_268 : i32 to vector<16xi32>
        %parallel_loop3A_270 = arith.addi %parallel_loop3A_176, %parallel_loop3A_269 : vector<16xi32>
        tpu.vector_store_idx %arg10[%parallel_loop3A_270], %parallel_loop3A_216 {add = true} : memref<2560xf32, #tpu.memory_space<vmem>>[vector<16xi32>], vector<16xf32>,
        %parallel_loop3A_271 = arith.constant 1600 : i32
        %parallel_loop3A_272 = vector.broadcast %parallel_loop3A_271 : i32 to vector<16xi32>
        %parallel_loop3A_273 = arith.addi %parallel_loop3A_176, %parallel_loop3A_272 : vector<16xi32>
        tpu.vector_store_idx %arg10[%parallel_loop3A_273], %parallel_loop3A_220 {add = true} : memref<2560xf32, #tpu.memory_space<vmem>>[vector<16xi32>], vector<16xf32>,
        %parallel_loop3A_274 = arith.constant 1760 : i32
        %parallel_loop3A_275 = vector.broadcast %parallel_loop3A_274 : i32 to vector<16xi32>
        %parallel_loop3A_276 = arith.addi %parallel_loop3A_176, %parallel_loop3A_275 : vector<16xi32>
        tpu.vector_store_idx %arg10[%parallel_loop3A_276], %parallel_loop3A_224 {add = true} : memref<2560xf32, #tpu.memory_space<vmem>>[vector<16xi32>], vector<16xf32>,
        %parallel_loop3A_277 = arith.constant 1920 : i32
        %parallel_loop3A_278 = vector.broadcast %parallel_loop3A_277 : i32 to vector<16xi32>
        %parallel_loop3A_279 = arith.addi %parallel_loop3A_176, %parallel_loop3A_278 : vector<16xi32>
        tpu.vector_store_idx %arg10[%parallel_loop3A_279], %parallel_loop3A_228 {add = true} : memref<2560xf32, #tpu.memory_space<vmem>>[vector<16xi32>], vector<16xf32>,
        %parallel_loop3A_280 = arith.constant 2080 : i32
        %parallel_loop3A_281 = vector.broadcast %parallel_loop3A_280 : i32 to vector<16xi32>
        %parallel_loop3A_282 = arith.addi %parallel_loop3A_176, %parallel_loop3A_281 : vector<16xi32>
        tpu.vector_store_idx %arg10[%parallel_loop3A_282], %parallel_loop3A_232 {add = true} : memref<2560xf32, #tpu.memory_space<vmem>>[vector<16xi32>], vector<16xf32>,
        %parallel_loop3A_283 = arith.constant 2240 : i32
        %parallel_loop3A_284 = vector.broadcast %parallel_loop3A_283 : i32 to vector<16xi32>
        %parallel_loop3A_285 = arith.addi %parallel_loop3A_176, %parallel_loop3A_284 : vector<16xi32>
        tpu.vector_store_idx %arg10[%parallel_loop3A_285], %parallel_loop3A_236 {add = true} : memref<2560xf32, #tpu.memory_space<vmem>>[vector<16xi32>], vector<16xf32>,
        %parallel_loop3A_286 = arith.constant 2400 : i32
        %parallel_loop3A_287 = vector.broadcast %parallel_loop3A_286 : i32 to vector<16xi32>
        %parallel_loop3A_288 = arith.addi %parallel_loop3A_176, %parallel_loop3A_287 : vector<16xi32>
        tpu.vector_store_idx %arg10[%parallel_loop3A_288], %parallel_loop3A_240 {add = true} : memref<2560xf32, #tpu.memory_space<vmem>>[vector<16xi32>], vector<16xf32>,
      } {sc.loop_unroll_factor = 1 : i64, sc.parallel_access}
      %lt3A_153 = arith.constant 9 : i32
      %lt3A_154 = arith.cmpi slt, %scan3A_122, %lt3A_153 : i32
      %convert_element_type3A = arith.extui %lt3A_154 : i1 to i32
      %cond3A = arith.constant 0 : i32
      %cond3A_155 = arith.cmpi ne, %convert_element_type3A, %cond3A : i32
      scf.if %cond3A_155 {
        %add3A_174 = arith.constant 2 : i32
        %add3A_175 = arith.addi %mul3A_125, %add3A_174 : i32
        %mul3A_176 = arith.constant 2048 : i32
        %mul3A_177 = arith.muli %add3A_175, %mul3A_176 : i32
        %add3A_178 = arith.addi %add3A_75, %mul3A_177 : i32
        %dma_start3A_179 = tpu.memref_slice %arg3[%add3A_178] : memref<524288xi32, #tpu.memory_space<hbm>> -> memref<2048xi32, #tpu.memory_space<hbm>>
        %dma_start3A_180 = tpu.memref_slice %arg3[%add3A_178] : memref<524288xi32, #tpu.memory_space<hbm>> -> memref<2048xi32, #tpu.memory_space<hbm>>
        tpu.enqueue_dma source(%dma_start3A_180 : memref<2048xi32, #tpu.memory_space<hbm>>) target(%arg8 : memref<2048xi32, #tpu.memory_space<vmem>>) target_semaphore(%arg14 : memref<!tpu.dma_semaphore, #tpu.memory_space<semaphore_mem>>)
        %mul3A_181 = arith.constant 2048 : i32
        %mul3A_182 = arith.muli %add3A_175, %mul3A_181 : i32
        %add3A_183 = arith.addi %mul3A_72, %mul3A_182 : i32
        %dma_start3A_184 = tpu.memref_slice %arg2[%select_n3A_54, %mul3A_77, %add3A_183] : memref<2x128x262144xf32, #tpu.memory_space<hbm>> -> memref<1x16x2048xf32, #tpu.memory_space<hbm>>
        %dma_start3A_185 = tpu.memref_squeeze %dma_start3A_184 : memref<1x16x2048xf32, #tpu.memory_space<hbm>> -> memref<16x2048xf32, #tpu.memory_space<hbm>>
        %dma_start3A_186 = tpu.memref_slice %arg2[%select_n3A_54, %mul3A_77, %add3A_183] : memref<2x128x262144xf32, #tpu.memory_space<hbm>> -> memref<1x16x2048xf32, #tpu.memory_space<hbm>>
        %dma_start3A_187 = tpu.memref_squeeze %dma_start3A_186 : memref<1x16x2048xf32, #tpu.memory_space<hbm>> -> memref<16x2048xf32, #tpu.memory_space<hbm>>
        tpu.enqueue_dma source(%dma_start3A_187 : memref<16x2048xf32, #tpu.memory_space<hbm>>) target(%arg6 : memref<16x2048xf32, #tpu.memory_space<vmem>>) target_semaphore(%arg12 : memref<!tpu.dma_semaphore, #tpu.memory_space<semaphore_mem>>)
      } else {
      }
      %add3A_156 = arith.constant 1 : i32
      %add3A_157 = arith.addi %mul3A_125, %add3A_156 : i32
      %mul3A_158 = arith.constant 2048 : i32
      %mul3A_159 = arith.muli %add3A_157, %mul3A_158 : i32
      %add3A_160 = arith.addi %add3A_75, %mul3A_159 : i32
      %dma_wait3A_161 = tpu.memref_slice %arg3[%add3A_160] : memref<524288xi32, #tpu.memory_space<hbm>> -> memref<2048xi32, #tpu.memory_space<hbm>>
      %dma_wait3A_162 = tpu.memref_slice %arg3[%add3A_160] : memref<524288xi32, #tpu.memory_space<hbm>> -> memref<2048xi32, #tpu.memory_space<hbm>>
      tpu.wait_dma2 semaphore(%arg15 : memref<!tpu.dma_semaphore, #tpu.memory_space<semaphore_mem>>) src(%dma_wait3A_162 : memref<2048xi32, #tpu.memory_space<hbm>>) dst(%arg9 : memref<2048xi32, #tpu.memory_space<vmem>>)
      %mul3A_163 = arith.constant 2048 : i32
      %mul3A_164 = arith.muli %add3A_157, %mul3A_163 : i32
      %add3A_165 = arith.addi %mul3A_72, %mul3A_164 : i32
      %dma_wait3A_166 = tpu.memref_slice %arg2[%select_n3A_54, %mul3A_77, %add3A_165] : memref<2x128x262144xf32, #tpu.memory_space<hbm>> -> memref<1x16x2048xf32, #tpu.memory_space<hbm>>
      %dma_wait3A_167 = tpu.memref_squeeze %dma_wait3A_166 : memref<1x16x2048xf32, #tpu.memory_space<hbm>> -> memref<16x2048xf32, #tpu.memory_space<hbm>>
      %dma_wait3A_168 = tpu.memref_slice %arg2[%select_n3A_54, %mul3A_77, %add3A_165] : memref<2x128x262144xf32, #tpu.memory_space<hbm>> -> memref<1x16x2048xf32, #tpu.memory_space<hbm>>
      %dma_wait3A_169 = tpu.memref_squeeze %dma_wait3A_168 : memref<1x16x2048xf32, #tpu.memory_space<hbm>> -> memref<16x2048xf32, #tpu.memory_space<hbm>>
      tpu.wait_dma2 semaphore(%arg13 : memref<!tpu.dma_semaphore, #tpu.memory_space<semaphore_mem>>) src(%dma_wait3A_169 : memref<16x2048xf32, #tpu.memory_space<hbm>>) dst(%arg7 : memref<16x2048xf32, #tpu.memory_space<vmem>>)
      %parallel_loop3A_170 = arith.constant 0 : i32
      %parallel_loop3A_171 = arith.constant 2048 : i32
      %parallel_loop3A_172 = arith.constant 16 : i32
      scf.for %parallel_loop3A_174 = %parallel_loop3A_170 to %parallel_loop3A_171 step %parallel_loop3A_172  : i32 {
        %parallel_loop3A_175 = arith.index_cast %parallel_loop3A_174 : i32 to index
        %parallel_loop3A_176 = tpu.vector_load %arg9[%parallel_loop3A_175] {strides = array<i32>} : memref<2048xi32, #tpu.memory_space<vmem>>, vector<16xi32>,
        tpu.vector_store_idx %arg11[%parallel_loop3A_176], %broadcast_in_dim3A_80 {add = true} : memref<160xf32, #tpu.memory_space<vmem>>[vector<16xi32>], vector<16xf32>,
        %parallel_loop3A_177 = arith.constant 0 : i32
        %parallel_loop3A_178 = arith.index_cast %parallel_loop3A_177 : i32 to index
        %parallel_loop3A_179 = arith.index_cast %parallel_loop3A_174 : i32 to index
        %parallel_loop3A_180 = tpu.vector_load %arg7[%parallel_loop3A_178, %parallel_loop3A_179] {strides = array<i32>} : memref<16x2048xf32, #tpu.memory_space<vmem>>, vector<16xf32>,
        %parallel_loop3A_181 = arith.constant 1 : i32
        %parallel_loop3A_182 = arith.index_cast %parallel_loop3A_181 : i32 to index
        %parallel_loop3A_183 = arith.index_cast %parallel_loop3A_174 : i32 to index
        %parallel_loop3A_184 = tpu.vector_load %arg7[%parallel_loop3A_182, %parallel_loop3A_183] {strides = array<i32>} : memref<16x2048xf32, #tpu.memory_space<vmem>>, vector<16xf32>,
        %parallel_loop3A_185 = arith.constant 2 : i32
        %parallel_loop3A_186 = arith.index_cast %parallel_loop3A_185 : i32 to index
        %parallel_loop3A_187 = arith.index_cast %parallel_loop3A_174 : i32 to index
        %parallel_loop3A_188 = tpu.vector_load %arg7[%parallel_loop3A_186, %parallel_loop3A_187] {strides = array<i32>} : memref<16x2048xf32, #tpu.memory_space<vmem>>, vector<16xf32>,
        %parallel_loop3A_189 = arith.constant 3 : i32
        %parallel_loop3A_190 = arith.index_cast %parallel_loop3A_189 : i32 to index
        %parallel_loop3A_191 = arith.index_cast %parallel_loop3A_174 : i32 to index
        %parallel_loop3A_192 = tpu.vector_load %arg7[%parallel_loop3A_190, %parallel_loop3A_191] {strides = array<i32>} : memref<16x2048xf32, #tpu.memory_space<vmem>>, vector<16xf32>,
        %parallel_loop3A_193 = arith.constant 4 : i32
        %parallel_loop3A_194 = arith.index_cast %parallel_loop3A_193 : i32 to index
        %parallel_loop3A_195 = arith.index_cast %parallel_loop3A_174 : i32 to index
        %parallel_loop3A_196 = tpu.vector_load %arg7[%parallel_loop3A_194, %parallel_loop3A_195] {strides = array<i32>} : memref<16x2048xf32, #tpu.memory_space<vmem>>, vector<16xf32>,
        %parallel_loop3A_197 = arith.constant 5 : i32
        %parallel_loop3A_198 = arith.index_cast %parallel_loop3A_197 : i32 to index
        %parallel_loop3A_199 = arith.index_cast %parallel_loop3A_174 : i32 to index
        %parallel_loop3A_200 = tpu.vector_load %arg7[%parallel_loop3A_198, %parallel_loop3A_199] {strides = array<i32>} : memref<16x2048xf32, #tpu.memory_space<vmem>>, vector<16xf32>,
        %parallel_loop3A_201 = arith.constant 6 : i32
        %parallel_loop3A_202 = arith.index_cast %parallel_loop3A_201 : i32 to index
        %parallel_loop3A_203 = arith.index_cast %parallel_loop3A_174 : i32 to index
        %parallel_loop3A_204 = tpu.vector_load %arg7[%parallel_loop3A_202, %parallel_loop3A_203] {strides = array<i32>} : memref<16x2048xf32, #tpu.memory_space<vmem>>, vector<16xf32>,
        %parallel_loop3A_205 = arith.constant 7 : i32
        %parallel_loop3A_206 = arith.index_cast %parallel_loop3A_205 : i32 to index
        %parallel_loop3A_207 = arith.index_cast %parallel_loop3A_174 : i32 to index
        %parallel_loop3A_208 = tpu.vector_load %arg7[%parallel_loop3A_206, %parallel_loop3A_207] {strides = array<i32>} : memref<16x2048xf32, #tpu.memory_space<vmem>>, vector<16xf32>,
        %parallel_loop3A_209 = arith.constant 8 : i32
        %parallel_loop3A_210 = arith.index_cast %parallel_loop3A_209 : i32 to index
        %parallel_loop3A_211 = arith.index_cast %parallel_loop3A_174 : i32 to index
        %parallel_loop3A_212 = tpu.vector_load %arg7[%parallel_loop3A_210, %parallel_loop3A_211] {strides = array<i32>} : memref<16x2048xf32, #tpu.memory_space<vmem>>, vector<16xf32>,
        %parallel_loop3A_213 = arith.constant 9 : i32
        %parallel_loop3A_214 = arith.index_cast %parallel_loop3A_213 : i32 to index
        %parallel_loop3A_215 = arith.index_cast %parallel_loop3A_174 : i32 to index
        %parallel_loop3A_216 = tpu.vector_load %arg7[%parallel_loop3A_214, %parallel_loop3A_215] {strides = array<i32>} : memref<16x2048xf32, #tpu.memory_space<vmem>>, vector<16xf32>,
        %parallel_loop3A_217 = arith.constant 10 : i32
        %parallel_loop3A_218 = arith.index_cast %parallel_loop3A_217 : i32 to index
        %parallel_loop3A_219 = arith.index_cast %parallel_loop3A_174 : i32 to index
        %parallel_loop3A_220 = tpu.vector_load %arg7[%parallel_loop3A_218, %parallel_loop3A_219] {strides = array<i32>} : memref<16x2048xf32, #tpu.memory_space<vmem>>, vector<16xf32>,
        %parallel_loop3A_221 = arith.constant 11 : i32
        %parallel_loop3A_222 = arith.index_cast %parallel_loop3A_221 : i32 to index
        %parallel_loop3A_223 = arith.index_cast %parallel_loop3A_174 : i32 to index
        %parallel_loop3A_224 = tpu.vector_load %arg7[%parallel_loop3A_222, %parallel_loop3A_223] {strides = array<i32>} : memref<16x2048xf32, #tpu.memory_space<vmem>>, vector<16xf32>,
        %parallel_loop3A_225 = arith.constant 12 : i32
        %parallel_loop3A_226 = arith.index_cast %parallel_loop3A_225 : i32 to index
        %parallel_loop3A_227 = arith.index_cast %parallel_loop3A_174 : i32 to index
        %parallel_loop3A_228 = tpu.vector_load %arg7[%parallel_loop3A_226, %parallel_loop3A_227] {strides = array<i32>} : memref<16x2048xf32, #tpu.memory_space<vmem>>, vector<16xf32>,
        %parallel_loop3A_229 = arith.constant 13 : i32
        %parallel_loop3A_230 = arith.index_cast %parallel_loop3A_229 : i32 to index
        %parallel_loop3A_231 = arith.index_cast %parallel_loop3A_174 : i32 to index
        %parallel_loop3A_232 = tpu.vector_load %arg7[%parallel_loop3A_230, %parallel_loop3A_231] {strides = array<i32>} : memref<16x2048xf32, #tpu.memory_space<vmem>>, vector<16xf32>,
        %parallel_loop3A_233 = arith.constant 14 : i32
        %parallel_loop3A_234 = arith.index_cast %parallel_loop3A_233 : i32 to index
        %parallel_loop3A_235 = arith.index_cast %parallel_loop3A_174 : i32 to index
        %parallel_loop3A_236 = tpu.vector_load %arg7[%parallel_loop3A_234, %parallel_loop3A_235] {strides = array<i32>} : memref<16x2048xf32, #tpu.memory_space<vmem>>, vector<16xf32>,
        %parallel_loop3A_237 = arith.constant 15 : i32
        %parallel_loop3A_238 = arith.index_cast %parallel_loop3A_237 : i32 to index
        %parallel_loop3A_239 = arith.index_cast %parallel_loop3A_174 : i32 to index
        %parallel_loop3A_240 = tpu.vector_load %arg7[%parallel_loop3A_238, %parallel_loop3A_239] {strides = array<i32>} : memref<16x2048xf32, #tpu.memory_space<vmem>>, vector<16xf32>,
        %parallel_loop3A_241 = arith.constant 0 : i32
        %parallel_loop3A_242 = vector.broadcast %parallel_loop3A_241 : i32 to vector<16xi32>
        %parallel_loop3A_243 = arith.addi %parallel_loop3A_176, %parallel_loop3A_242 : vector<16xi32>
        tpu.vector_store_idx %arg10[%parallel_loop3A_243], %parallel_loop3A_180 {add = true} : memref<2560xf32, #tpu.memory_space<vmem>>[vector<16xi32>], vector<16xf32>,
        %parallel_loop3A_244 = arith.constant 160 : i32
        %parallel_loop3A_245 = vector.broadcast %parallel_loop3A_244 : i32 to vector<16xi32>
        %parallel_loop3A_246 = arith.addi %parallel_loop3A_176, %parallel_loop3A_245 : vector<16xi32>
        tpu.vector_store_idx %arg10[%parallel_loop3A_246], %parallel_loop3A_184 {add = true} : memref<2560xf32, #tpu.memory_space<vmem>>[vector<16xi32>], vector<16xf32>,
        %parallel_loop3A_247 = arith.constant 320 : i32
        %parallel_loop3A_248 = vector.broadcast %parallel_loop3A_247 : i32 to vector<16xi32>
        %parallel_loop3A_249 = arith.addi %parallel_loop3A_176, %parallel_loop3A_248 : vector<16xi32>
        tpu.vector_store_idx %arg10[%parallel_loop3A_249], %parallel_loop3A_188 {add = true} : memref<2560xf32, #tpu.memory_space<vmem>>[vector<16xi32>], vector<16xf32>,
        %parallel_loop3A_250 = arith.constant 480 : i32
        %parallel_loop3A_251 = vector.broadcast %parallel_loop3A_250 : i32 to vector<16xi32>
        %parallel_loop3A_252 = arith.addi %parallel_loop3A_176, %parallel_loop3A_251 : vector<16xi32>
        tpu.vector_store_idx %arg10[%parallel_loop3A_252], %parallel_loop3A_192 {add = true} : memref<2560xf32, #tpu.memory_space<vmem>>[vector<16xi32>], vector<16xf32>,
        %parallel_loop3A_253 = arith.constant 640 : i32
        %parallel_loop3A_254 = vector.broadcast %parallel_loop3A_253 : i32 to vector<16xi32>
        %parallel_loop3A_255 = arith.addi %parallel_loop3A_176, %parallel_loop3A_254 : vector<16xi32>
        tpu.vector_store_idx %arg10[%parallel_loop3A_255], %parallel_loop3A_196 {add = true} : memref<2560xf32, #tpu.memory_space<vmem>>[vector<16xi32>], vector<16xf32>,
        %parallel_loop3A_256 = arith.constant 800 : i32
        %parallel_loop3A_257 = vector.broadcast %parallel_loop3A_256 : i32 to vector<16xi32>
        %parallel_loop3A_258 = arith.addi %parallel_loop3A_176, %parallel_loop3A_257 : vector<16xi32>
        tpu.vector_store_idx %arg10[%parallel_loop3A_258], %parallel_loop3A_200 {add = true} : memref<2560xf32, #tpu.memory_space<vmem>>[vector<16xi32>], vector<16xf32>,
        %parallel_loop3A_259 = arith.constant 960 : i32
        %parallel_loop3A_260 = vector.broadcast %parallel_loop3A_259 : i32 to vector<16xi32>
        %parallel_loop3A_261 = arith.addi %parallel_loop3A_176, %parallel_loop3A_260 : vector<16xi32>
        tpu.vector_store_idx %arg10[%parallel_loop3A_261], %parallel_loop3A_204 {add = true} : memref<2560xf32, #tpu.memory_space<vmem>>[vector<16xi32>], vector<16xf32>,
        %parallel_loop3A_262 = arith.constant 1120 : i32
        %parallel_loop3A_263 = vector.broadcast %parallel_loop3A_262 : i32 to vector<16xi32>
        %parallel_loop3A_264 = arith.addi %parallel_loop3A_176, %parallel_loop3A_263 : vector<16xi32>
        tpu.vector_store_idx %arg10[%parallel_loop3A_264], %parallel_loop3A_208 {add = true} : memref<2560xf32, #tpu.memory_space<vmem>>[vector<16xi32>], vector<16xf32>,
        %parallel_loop3A_265 = arith.constant 1280 : i32
        %parallel_loop3A_266 = vector.broadcast %parallel_loop3A_265 : i32 to vector<16xi32>
        %parallel_loop3A_267 = arith.addi %parallel_loop3A_176, %parallel_loop3A_266 : vector<16xi32>
        tpu.vector_store_idx %arg10[%parallel_loop3A_267], %parallel_loop3A_212 {add = true} : memref<2560xf32, #tpu.memory_space<vmem>>[vector<16xi32>], vector<16xf32>,
        %parallel_loop3A_268 = arith.constant 1440 : i32
        %parallel_loop3A_269 = vector.broadcast %parallel_loop3A_268 : i32 to vector<16xi32>
        %parallel_loop3A_270 = arith.addi %parallel_loop3A_176, %parallel_loop3A_269 : vector<16xi32>
        tpu.vector_store_idx %arg10[%parallel_loop3A_270], %parallel_loop3A_216 {add = true} : memref<2560xf32, #tpu.memory_space<vmem>>[vector<16xi32>], vector<16xf32>,
        %parallel_loop3A_271 = arith.constant 1600 : i32
        %parallel_loop3A_272 = vector.broadcast %parallel_loop3A_271 : i32 to vector<16xi32>
        %parallel_loop3A_273 = arith.addi %parallel_loop3A_176, %parallel_loop3A_272 : vector<16xi32>
        tpu.vector_store_idx %arg10[%parallel_loop3A_273], %parallel_loop3A_220 {add = true} : memref<2560xf32, #tpu.memory_space<vmem>>[vector<16xi32>], vector<16xf32>,
        %parallel_loop3A_274 = arith.constant 1760 : i32
        %parallel_loop3A_275 = vector.broadcast %parallel_loop3A_274 : i32 to vector<16xi32>
        %parallel_loop3A_276 = arith.addi %parallel_loop3A_176, %parallel_loop3A_275 : vector<16xi32>
        tpu.vector_store_idx %arg10[%parallel_loop3A_276], %parallel_loop3A_224 {add = true} : memref<2560xf32, #tpu.memory_space<vmem>>[vector<16xi32>], vector<16xf32>,
        %parallel_loop3A_277 = arith.constant 1920 : i32
        %parallel_loop3A_278 = vector.broadcast %parallel_loop3A_277 : i32 to vector<16xi32>
        %parallel_loop3A_279 = arith.addi %parallel_loop3A_176, %parallel_loop3A_278 : vector<16xi32>
        tpu.vector_store_idx %arg10[%parallel_loop3A_279], %parallel_loop3A_228 {add = true} : memref<2560xf32, #tpu.memory_space<vmem>>[vector<16xi32>], vector<16xf32>,
        %parallel_loop3A_280 = arith.constant 2080 : i32
        %parallel_loop3A_281 = vector.broadcast %parallel_loop3A_280 : i32 to vector<16xi32>
        %parallel_loop3A_282 = arith.addi %parallel_loop3A_176, %parallel_loop3A_281 : vector<16xi32>
        tpu.vector_store_idx %arg10[%parallel_loop3A_282], %parallel_loop3A_232 {add = true} : memref<2560xf32, #tpu.memory_space<vmem>>[vector<16xi32>], vector<16xf32>,
        %parallel_loop3A_283 = arith.constant 2240 : i32
        %parallel_loop3A_284 = vector.broadcast %parallel_loop3A_283 : i32 to vector<16xi32>
        %parallel_loop3A_285 = arith.addi %parallel_loop3A_176, %parallel_loop3A_284 : vector<16xi32>
        tpu.vector_store_idx %arg10[%parallel_loop3A_285], %parallel_loop3A_236 {add = true} : memref<2560xf32, #tpu.memory_space<vmem>>[vector<16xi32>], vector<16xf32>,
        %parallel_loop3A_286 = arith.constant 2400 : i32
        %parallel_loop3A_287 = vector.broadcast %parallel_loop3A_286 : i32 to vector<16xi32>
        %parallel_loop3A_288 = arith.addi %parallel_loop3A_176, %parallel_loop3A_287 : vector<16xi32>
        tpu.vector_store_idx %arg10[%parallel_loop3A_288], %parallel_loop3A_240 {add = true} : memref<2560xf32, #tpu.memory_space<vmem>>[vector<16xi32>], vector<16xf32>,
      } {sc.loop_unroll_factor = 1 : i64, sc.parallel_access}
      %scan3A_173 = arith.constant 0 : i32
      scf.yield %scan3A_173 : i32
    }
    %scan3A_121 = arith.constant 10 : i32
    "tpu.region"() ({
      %run_scoped3A = tpu.sem_alloc : memref<!tpu.dma_semaphore, #tpu.memory_space<semaphore_mem>>
      %dma_start3A_122 = arith.constant 0 : i32
      %dma_start3A_123 = tpu.memref_slice %arg4[%add3A, %dma_start3A_122] : memref<32x2560xf32, #tpu.memory_space<hbm>> -> memref<1x2560xf32, #tpu.memory_space<hbm>>
      %dma_start3A_124 = tpu.memref_squeeze %dma_start3A_123 : memref<1x2560xf32, #tpu.memory_space<hbm>> -> memref<2560xf32, #tpu.memory_space<hbm>>
      %dma_start3A_125 = arith.constant 0 : i32
      %dma_start3A_126 = tpu.memref_slice %arg4[%add3A, %dma_start3A_125] : memref<32x2560xf32, #tpu.memory_space<hbm>> -> memref<1x2560xf32, #tpu.memory_space<hbm>>
      %dma_start3A_127 = tpu.memref_squeeze %dma_start3A_126 : memref<1x2560xf32, #tpu.memory_space<hbm>> -> memref<2560xf32, #tpu.memory_space<hbm>>
      tpu.enqueue_dma source(%arg10 : memref<2560xf32, #tpu.memory_space<vmem>>) target(%dma_start3A_127 : memref<2560xf32, #tpu.memory_space<hbm>>) target_semaphore(%run_scoped3A : memref<!tpu.dma_semaphore, #tpu.memory_space<semaphore_mem>>)
      %dma_wait3A = arith.constant 0 : i32
      %dma_wait3A_128 = tpu.memref_slice %arg4[%add3A, %dma_wait3A] : memref<32x2560xf32, #tpu.memory_space<hbm>> -> memref<1x2560xf32, #tpu.memory_space<hbm>>
      %dma_wait3A_129 = tpu.memref_squeeze %dma_wait3A_128 : memref<1x2560xf32, #tpu.memory_space<hbm>> -> memref<2560xf32, #tpu.memory_space<hbm>>
      %dma_wait3A_130 = arith.constant 0 : i32
      %dma_wait3A_131 = tpu.memref_slice %arg4[%add3A, %dma_wait3A_130] : memref<32x2560xf32, #tpu.memory_space<hbm>> -> memref<1x2560xf32, #tpu.memory_space<hbm>>
      %dma_wait3A_132 = tpu.memref_squeeze %dma_wait3A_131 : memref<1x2560xf32, #tpu.memory_space<hbm>> -> memref<2560xf32, #tpu.memory_space<hbm>>
      tpu.wait_dma2 semaphore(%run_scoped3A : memref<!tpu.dma_semaphore, #tpu.memory_space<semaphore_mem>>) src(%arg10 : memref<2560xf32, #tpu.memory_space<vmem>>) dst(%dma_wait3A_132 : memref<2560xf32, #tpu.memory_space<hbm>>)
      tpu.yield
    }) : () -> ()
    "tpu.region"() ({
      %run_scoped3A = tpu.sem_alloc : memref<!tpu.dma_semaphore, #tpu.memory_space<semaphore_mem>>
      %dma_start3A_122 = arith.constant 0 : i32
      %dma_start3A_123 = tpu.memref_slice %arg5[%add3A, %dma_start3A_122] : memref<32x160xf32, #tpu.memory_space<hbm>> -> memref<1x160xf32, #tpu.memory_space<hbm>>
      %dma_start3A_124 = tpu.memref_squeeze %dma_start3A_123 : memref<1x160xf32, #tpu.memory_space<hbm>> -> memref<160xf32, #tpu.memory_space<hbm>>
      %dma_start3A_125 = arith.constant 0 : i32
      %dma_start3A_126 = tpu.memref_slice %arg5[%add3A, %dma_start3A_125] : memref<32x160xf32, #tpu.memory_space<hbm>> -> memref<1x160xf32, #tpu.memory_space<hbm>>
      %dma_start3A_127 = tpu.memref_squeeze %dma_start3A_126 : memref<1x160xf32, #tpu.memory_space<hbm>> -> memref<160xf32, #tpu.memory_space<hbm>>
      tpu.enqueue_dma source(%arg11 : memref<160xf32, #tpu.memory_space<vmem>>) target(%dma_start3A_127 : memref<160xf32, #tpu.memory_space<hbm>>) target_semaphore(%run_scoped3A : memref<!tpu.dma_semaphore, #tpu.memory_space<semaphore_mem>>)
      %dma_wait3A = arith.constant 0 : i32
      %dma_wait3A_128 = tpu.memref_slice %arg5[%add3A, %dma_wait3A] : memref<32x160xf32, #tpu.memory_space<hbm>> -> memref<1x160xf32, #tpu.memory_space<hbm>>
      %dma_wait3A_129 = tpu.memref_squeeze %dma_wait3A_128 : memref<1x160xf32, #tpu.memory_space<hbm>> -> memref<160xf32, #tpu.memory_space<hbm>>
      %dma_wait3A_130 = arith.constant 0 : i32
      %dma_wait3A_131 = tpu.memref_slice %arg5[%add3A, %dma_wait3A_130] : memref<32x160xf32, #tpu.memory_space<hbm>> -> memref<1x160xf32, #tpu.memory_space<hbm>>
      %dma_wait3A_132 = tpu.memref_squeeze %dma_wait3A_131 : memref<1x160xf32, #tpu.memory_space<hbm>> -> memref<160xf32, #tpu.memory_space<hbm>>
      tpu.wait_dma2 semaphore(%run_scoped3A : memref<!tpu.dma_semaphore, #tpu.memory_space<semaphore_mem>>) src(%arg11 : memref<160xf32, #tpu.memory_space<vmem>>) dst(%dma_wait3A_132 : memref<160xf32, #tpu.memory_space<hbm>>)
      tpu.yield
    }) : () -> ()
    return
  }
}

</mosaic_0001>

<sc_bundles>
// kernel: _sc_segment_sums.3.cloned.1.call-start
scs
__scs_entry_jumppad:
0x0: {  	(pc) =	sbr.rel $0x88, $3  }
0x1: {  	(tag) =	ssettag $0x0;
	lr =	simm.s32 $0x1  }
0x2: {  	[smem:$0x3F9F] =	sst lr;
	_ =	strace $0xD0000000  }
0x3: {  	_ = 	snop  }
0x4: {  	_ = 	snop  }
0x5: {  	_ = 	snop  }
0x6: {  	_ = 	snop  }
0x7: {  	_ = 	snop  }
__scs_overlays_trampoline_lowered:
0x8: {  	[smem:$0x3FAE] =	sst s0  }
0x9: {  	[smem:$0x3FAF] =	sst s1  }
0xa: {  	[smem:$0x3FB0] =	sst s2  }
0xb: {  	[smem:$0x3FB1] =	sst s3  }
0xc: {  	[smem:$0x3FB2] =	sst s4  }
0xd: {  	[smem:$0x3FB3] =	sst s5  }
0xe: {  	[smem:$0x3FB4] =	sst s6  }
0xf: {  	[smem:$0x3FB5] =	sst s7  }
0x10: {  	[smem:$0x3FB6] =	sst s8  }
0x11: {  	[smem:$0x3FB7] =	sst s9;
	s0 =	simm.s32 @!p0 $0x0  }
0x12: {  	s1 =	sld [smem:$0x3F9D];
	s0 =	simm.s32 @p0 $0x1  }
0x13: {  	[smem:$0x3FB8] =	sst s0;
	s0 =	simm.s32 @!p1 $0x0  }
0x14: {  	s2 =	sld [smem:$0x3F9C];
	s0 =	simm.s32 @p1 $0x1  }
0x15: {  	[smem:$0x3FB9] =	sst s0;
	s0 =	simm.s32 @!p2 $0x0  }
0x16: {  	s3 =	sld [smem:$0x3FDB];
	s0 =	simm.s32 @p2 $0x1  }
0x17: {  	s4 =	simm.s32 $0x1BF5;
	[smem:$0x3FBB] =	sst s0  }
0x18: {  	s0 =	sld [smem:$0x3F9E];
	_ =	swait.ge [sflag:s4], $0x0  }
0x19: {  	s7 =	sld [smem:$0x3F9F]  }
0x1a: {  	s8 =	sadd.s32 $0xFFFFE003, lr  }
0x1b: {  	s9 =	sadd.s32 $0xFFFFFEF7, lr;
	s5 =	simm.s32 $0xFFFFFFFF;
	p2 =	slt.u32 s8, $0xFFFFF086  }
0x1c: {  	p1 =	slt.u32 s9, $0xF7A;
	s5 =	simm.s32 @!p2 $0x0  }
0x1d: {  	s5 =	simm.s32 @p1 $0x1;
	p0 =	seq.s32 s7, s2  }
0x1e: {  	s7 =	smul.u32 @!p0 $0xF7A, s2;
	p2 =	seq.s32 @!p0 s5, $0x0  }
0x1f: {  	s9 =	smul.u32 $0xF7A, s1;
	s8 =	simm.s32 @!p0 $0x1BF5;
	p2 =	por !p2, p0  }
0x20: {  	[sflag:s8] =	ssyncset.s32 @!p0 $0xFFFFF086;
	s6 =	sadd.s32 @!p0 s3, s7;
	s7 =	simm.s32 @!p0 $0x108  }
0x21: {  	s3 =	sadd.s32 s3, s9;
	s6 =	sadd.s32 @!p0 $0x88, s6;
	s7 =	simm.s32 @p2 $0x1082  }
0x22: {  	[simem:s7], [sflag:s8] =	dma.local @!p0 [hbm:s6], $0xF7A  }
0x23: {  	s9 =	sor.u32 $0xD0000000, s2;
	s6 =	simm.s32 $0x108;
	_ =	swait.ge @!p0 [sflag:s8], $0x0  }
0x24: {  	s3 =	sadd.s32 $0x88, s3;
	s6 =	simm.s32 @!p1 $0x1082;
	[sflag:s4] =	ssyncset.s32 $0xFFFFF086  }
0x25: {  	[simem:s6], [sflag:s4] =	dma.local [hbm:s3], $0xF7A  }
0x26: {  	[smem:$0x3F9F] =	sst s1;
	(tag) =	ssettag s2;
	_ =	strace s9  }
0x27: {  	s1 =	sld [smem:$0x3FAF]  }
0x28: {  	s2 =	sld [smem:$0x3FB0]  }
0x29: {  	s4 =	sld [smem:$0x3FB2]  }
0x2a: {  	p0 =	seq.s32 s5, $0x0;
	s5 =	sld [smem:$0x3FB3]  }
0x2b: {  	s6 =	sld [smem:$0x3FB4]  }
0x2c: {  	s7 =	sld [smem:$0x3FB5]  }
0x2d: {  	s3 =	simm.s32 $0x108;
	s8 =	sld [smem:$0x3FB6]  }
0x2e: {  	s3 =	simm.s32 @!p0 $0x1082;
	s9 =	sld [smem:$0x3FB7]  }
0x2f: {  	lr =	sadd.s32 s0, s3;
	s0 =	sld [smem:$0x3FAE]  }
0x30: {  	s3 =	sld [smem:$0x3FB1]  }
0x31: {  	[smem:$0x3FBA] =	sst s10  }
0x32: {  	s10 =	sld [smem:$0x3FB8];
	_ =	sdelay $0x3  }
0x33: {  	p0 =	seq.s32 s10, $0x1;
	s10 =	sld [smem:$0x3FBA];
	_ =	sdelay $0x3  }
0x34: {  	[smem:$0x3FBA] =	sst s10  }
0x35: {  	s10 =	sld [smem:$0x3FB9];
	_ =	sdelay $0x3  }
0x36: {  	p1 =	seq.s32 s10, $0x1;
	s10 =	sld [smem:$0x3FBA];
	_ =	sdelay $0x3  }
0x37: {  	[smem:$0x3FBA] =	sst s10  }
0x38: {  	s10 =	sld [smem:$0x3FBB]  }
0x39: {  	_ = 	snop;
	(pc) =	sbr.ind lr, $3  }
0x3a: {  	_ = 	snop  }
0x3b: {  	_ = 	snop  }
0x3c: {  	p2 =	seq.s32 s10, $0x1;
	s10 =	sld [smem:$0x3FBA]  }
0x3d: {  	_ =	shalt  }
0x3e: {  	_ =	shalt  }
0x3f: {  	_ =	shalt  }
0x40: {  	_ =	shalt  }
0x41: {  	_ =	shalt  }
0x42: {  	_ =	shalt  }
0x43: {  	_ =	shalt  }
0x44: {  	_ =	shalt  }
0x45: {  	_ =	shalt  }
0x46: {  	_ =	shalt  }
0x47: {  	_ =	shalt  }
0x48: {  	_ =	shalt  }
0x49: {  	_ =	shalt  }
0x4a: {  	_ =	shalt  }
0x4b: {  	_ =	shalt  }
0x4c: {  	_ =	shalt  }
0x4d: {  	_ =	shalt  }
0x4e: {  	_ =	shalt  }
0x4f: {  	_ =	shalt  }
0x50: {  	_ =	shalt  }
0x51: {  	_ =	shalt  }
0x52: {  	_ =	shalt  }
0x53: {  	_ =	shalt  }
0x54: {  	_ =	shalt  }
0x55: {  	_ =	shalt  }
0x56: {  	_ =	shalt  }
0x57: {  	_ =	shalt  }
0x58: {  	_ =	shalt  }
0x59: {  	_ =	shalt  }
0x5a: {  	_ =	shalt  }
0x5b: {  	_ =	shalt  }
0x5c: {  	_ =	shalt  }
0x5d: {  	_ =	shalt  }
0x5e: {  	_ =	shalt  }
0x5f: {  	_ =	shalt  }
0x60: {  	_ =	shalt  }
0x61: {  	_ =	shalt  }
0x62: {  	_ =	shalt  }
0x63: {  	_ =	shalt  }
0x64: {  	_ =	shalt  }
0x65: {  	_ =	shalt  }
0x66: {  	_ =	shalt  }
0x67: {  	_ =	shalt  }
0x68: {  	_ =	shalt  }
0x69: {  	_ =	shalt  }
0x6a: {  	_ =	shalt  }
0x6b: {  	_ =	shalt  }
0x6c: {  	_ =	shalt  }
0x6d: {  	_ =	shalt  }
0x6e: {  	_ =	shalt  }
0x6f: {  	_ =	shalt  }
0x70: {  	_ =	shalt  }
0x71: {  	_ =	shalt  }
0x72: {  	_ =	shalt  }
0x73: {  	_ =	shalt  }
0x74: {  	_ =	shalt  }
0x75: {  	_ =	shalt  }
0x76: {  	_ =	shalt  }
0x77: {  	_ =	shalt  }
0x78: {  	_ =	shalt  }
0x79: {  	_ =	shalt  }
0x7a: {  	_ =	shalt  }
0x7b: {  	_ =	shalt  }
0x7c: {  	_ =	shalt  }
0x7d: {  	_ =	shalt  }
0x7e: {  	_ =	shalt  }
0x7f: {  	_ =	shalt  }
0x80: {  	_ =	shalt  }
0x81: {  	_ =	shalt  }
0x82: {  	_ =	shalt  }
0x83: {  	_ =	shalt  }
0x84: {  	_ =	shalt  }
0x85: {  	_ =	shalt  }
0x86: {  	_ =	shalt  }
0x87: {  	_ =	shalt  }
.Lfunc_end0:
.L_simem_size_0:
called_computation_lowered:
.L_overlay_start_0:
0x88: {  	s2 =	sld [smem:$0x3FD9]  }
0x89: {  	s3 =	sld [smem:$0x3FFE];
	_ =	sdelay $0x1  }
0x8a: {  	s1 =	srdreg.scid  }
0x8b: {  	s0 =	sand.u32 $0x1, s1  }
0x8c: {  	s15 =	sshll.u32 s0, $0xA;
	s2 =	sadd.s32 s3, s2  }
0x8d: {  	s2 =	sadd.s32 s2, s15  }
0x8e: {  	[smem:$0x3FC6] =	sst s2  }
0x8f: {  	_ = 	snop  }
0x90: {  	s2 =	sld [smem:$0x3FD0];
	_ =	sdelay $0x1  }
0x91: {  	s16 =	sld [smem:$0x3FC9]  }
0x92: {  	s5 =	simm.s32 $0xA;
	s6 =	simm.s32 $0x10;
	s4 =	sld [smem:$0x3FC8]  }
0x93: {  	[smem:s6], [sflag:s5] =	dma.local [hbm:s2], $0x1  }
0x94: {  	_ =	swait.eq [sflag:s5], $0x1  }
0x95: {  	[sflag:s5] =	ssyncset.done $0x0  }
0x96: {  	s17 =	sld [smem:$0x10];
	[sflag:s5] =	ssyncadd.s32 $0xFFFFFFFF  }
0x97: {  	s18 =	sld [smem:$0x11];
	(tm) =	ssettm $0x1  }
0x98: {  	s19 =	sld [smem:$0x3FFB];
	_ =	sdelay $0x3  }
0x99: {  	_ =	strace s19  }
0x9a: {  	s6 =	sld [smem:$0x3FFC];
	_ =	sdelay $0x3  }
0x9b: {  	_ =	strace s6  }
0x9c: {  	s6 =	sld [smem:$0x3FFD];
	_ =	sdelay $0x3  }
0x9d: {  	_ =	strace s6  }
0x9e: {  	_ =	strace $0x8FFFFFFF  }
0x9f: {  	s20 =	sld [smem:$0x3FDB];
	_ =	sdelay $0x1  }
0xa0: {  	s7 =	simm.s32 $_scs_section_size  }
0xa1: {  	s8 =	simm.s32 $_size__tile_overlayer_lowered;
	s9 =	simm.s32 $_tile_overlayer_lowered  }
0xa2: {  	s23 =	simm.s32 $0x1BFF;
	s22 =	sshll.u32 s9, $0x1;
	s6 =	sadd.s32 s7, s20  }
0xa3: {  	s10 =	simm.s32 $0x0;
	s21 =	sshll.u32 s8, $0x1;
	s8 =	sadd.s32 s22, s6  }
0xa4: {  	[timem:s10], [sflag:s23] =	dma.local [hbm:s8], s21  }
0xa5: {  	_ =	swait.ge [sflag:s23], s21  }
0xa6: {  	s7 =	ssub.s32 $0x0, s21;
	[sflag:s23] =	ssyncset.done $0x0  }
0xa7: {  	[sflag:s23] =	ssyncadd.s32 s7;
	_ =	sdelay $0x1  }
0xa8: {  	s24 =	simm.s32 $0x1B8B  }
0xa9: {  	_ =	swait.ge [sflag:s24], $0x1  }
0xaa: {  	[sflag:s24] =	ssyncset.done $0x0  }
0xab: {  	s25 =	simm.s32 $0x1B8E;
	[sflag:s24] =	ssyncadd.s32 $0xFFFFFFFF  }
0xac: {  	s26 =	simm.s32 $execute0_lowered;
	[smem:$0x3FD2] =	sst s25  }
0xad: {  	s7 =	sshll.u32 s26, $0x1;
	_ =	strace $0x80000046;
	[dreg:$0x1] =	wrdreg $0xFFFFFFFF  }
0xae: {  	s28 =	simm.s32 $_size_execute0_lowered;
	s6 =	sadd.s32 s6, s7;
	[dreg:$0x0] =	wrdreg $0x0  }
0xaf: {  	s7 =	sshll.u32 s28, $0x1;
	[dreg:$0x2] =	wrdreg s6  }
0xb0: {  	[dreg:$0x3] =	wrdreg s7  }
0xb1: {  	[dreg:$0x4] =	wrdreg $0xC0  }
0xb2: {  	_ =	task [dreg:s10], $0x5FFFF  }
0xb3: {  	[dreg:$0x1] =	wrdreg $0xFFFFFFFF  }
0xb4: {  	[dreg:$0x0] =	wrdreg $0x60  }
0xb5: {  	[dreg:$0x2] =	wrdreg s16  }
0xb6: {  	[dreg:$0x3] =	wrdreg s4  }
0xb7: {  	[dreg:$0x4] =	wrdreg s17  }
0xb8: {  	[dreg:$0x5] =	wrdreg s18  }
0xb9: {  	[dreg:$0x6] =	wrdreg $0x9  }
0xba: {  	_ =	task.clear_ibuf [dreg:s10], $0x7FFFF;
	_ =	strace $0x90000046  }
0xbb: {  	s29 =	simm.s32 $0x9;
	_ =	strace $0x80000048  }
0xbc: {  	_ =	swait.ge [sflag:s29], $0x1  }
0xbd: {  	[sflag:s29] =	ssyncadd.s32 $0xFFFFFFFF  }
0xbe: {  	_ =	strace $0x90000048  }
0xbf: {  	_ =	sfence  }
0xc0: {  	s30 =	sld [smem:$0x0];
	_ =	sdelay $0x2  }
0xc1: {  	s31 =	sshll.u32 s1, $0xD;
	s1 =	sshrl.u32 s1, $0x2  }
0xc2: {  	s3 =	sand.u32 $0x4000, s31;
	s1 =	sadd.s32 s1, s30  }
0xc3: {  	s0 =	sor.u32 s3, s0;
	s1 =	sshll.u32 s1, $0x11  }
0xc4: {  	s0 =	sor.u32 s1, s0  }
0xc5: {  	s0 =	sadd.s32 $0x8F2B, s0  }
0xc6: {  	[sflag:s0] =	ssyncadd.remote.s32 $0x1  }
0xc7: {  	_ =	sfence.sel $0xFFFF  }
0xc8: {  	[dreg:$0x0] =	wrdreg $0xFFFFFFFF;
	(pc) =	sbr.abs _section_cstart, $3  }
0xc9: {  	[dreg:$0x1] =	wrdreg $0xFFFFFFFF  }
0xca: {  	_ =	task.clear_ibuf [dreg:s10], $0x2FFFF;
	_ =	strace $0x9FFFFFFF  }
0xcb: {  	(tm) =	ssettm $0x7FFFFFFF  }
tec
execute0_lowered:
.L_overlay_start_1:
0x0: {  	(tag) =	ssettag $0x1  }
0x1: {  	s0 =	rddreg [dreg:$0x0]  }
0x2: {  	s1 =	rddreg [dreg:$0x1]  }
0x3: {  	s7 =	rddreg [dreg:$0x2]  }
0x4: {  	s8 =	rddreg [dreg:$0x3]  }
0x5: {  	s3 =	simm.s32 $0x0;
	s2 =	stileid.u32;
	s4 =	srdreg.scid  }
0x6: {  	s15 =	simm.s32 $0x3;
	s16 =	simm.s32 $0x1;
	s17 =	simm.s32 $0x11A00  }
0x7: {  	s18 =	simm.s32 $0x11000;
	s19 =	simm.s32 $0x4;
	s20 =	simm.s32 $0x2  }
0x8: {  	s21 =	simm.s32 $0x80;
	s22 =	simm.s32 $0x400;
	s23 =	simm.s32 $0x5  }
0x9: {  	[smem:$0x7FF] =	sst s3;
	s5 =	sshll.u32 s2, $0x1D;
	s6 =	sand.u32 $0x1, s4  }
0xa: {  	s9 =	sshrl.u32 s2, $0x3;
	s12 =	sshll.u32 s2, $0x1;
	s13 =	sshrl.u32 s2, $0x2  }
0xb: {  	_ =	strace $0x80000047;
	s24 =	sshra.s32 s5, $0x1F;
	s25 =	ssub.s32 $0x2, s6  }
0xc: {  	s26 =	sshll.u32 s9, $0x12;
	s6 =	sor.u32 s6, s12;
	s14 =	smul.u32 $0x5000, s13  }
0xd: {  	s9 =	sshll.u32 s9, $0x16;
	s13 =	sshll.u32 s13, $0xB;
	s10 =	sand.u32 $0xA000, s24  }
0xe: {  	s11 =	sshrl.u32 s25, $0x1;
	s12 =	sshll.u32 s6, $0x13;
	s6 =	sshll.u32 s6, $0x7  }
0xf: {  	s4 =	sor.u32 s26, s10;
	s11 =	ssub.s32 s25, s11;
	s12 =	sand.u32 $0x380000, s12  }
0x10: {  	s6 =	sand.u32 $0x380, s6;
	s0 =	sadd.s32 s0, s10;
	s10 =	simm.s32 $0x10000  }
0x11: {  	s28 =	sshrl.u32 s4, $0x3;
	s9 =	sor.u32 s9, s12;
	s29 =	sor.u32 s14, s6  }
0x12: {  	s6 =	sor.u32 s13, s6;
	s12 =	simm.s32 $0x200000;
	s13 =	simm.s32 $0x10800  }
0x13: {  	s14 =	simm.s32 $0x8000;
	s5 =	sadd.s32 s1, s28;
	s30 =	sshrl.u32 s29, $0x3  }
0x14: {  	s31 =	sshrl.u32 s6, $0x3;
	s6 =	sadd.s32 s9, s0;
	s9 =	smax.u32 s11, $0x1  }
0x15: {  	v0 =	vimm.f32 $0.0e+00;
	v1 =	vimm.f32 $1.000000000e+00;
	s11 =	simm.s32 $0x4000;
	s7 =	sadd.s32 s7, s30;
	s8 =	sadd.s32 s8, s31  }
.LBB2_1:
0x16: {  	s0 =	simm.s32 $0x40;
	s24 =	simm.s32 $0x0  }
.LBB2_2:
0x17: {  	p0 =	sne.s32 s0, $0x27C0;
	[tilespmem:s24+$0x11000] =	vst v0;
	s24 =	smov.u32 s0;
	s0 =	sadd.s32 $0x40, s0  }
.Ltmp0:
0x18: {  	(pc) =	sbr.rel @p0 .LBB2_2-.Ltmp0, $2  }
0x19: {  	_ =	sdelay $0x2  }
0x1a: {  	s24 =	sshra.s32 s24, $0x2  }
0x1b: {  	[tilespmem:s24+$0x11000] =	vst v0  }
0x1c: {  	[tilespmem:$0x11A00] =	vst v0  }
0x1d: {  	[tilespmem:$0x11A10] =	vst v0  }
0x1e: {  	[tilespmem:$0x11A20] =	vst v0  }
0x1f: {  	[tilespmem:$0x11A30] =	vst v0  }
0x20: {  	[tilespmem:$0x11A40] =	vst v0  }
0x21: {  	[tilespmem:$0x11A50] =	vst v0  }
0x22: {  	[tilespmem:$0x11A60] =	vst v0  }
0x23: {  	[tilespmem:$0x11A70] =	vst v0  }
0x24: {  	[tilespmem:$0x11A80] =	vst v0  }
0x25: {  	s24 =	simm.s32 $0x0;
	[tilespmem:$0x11A90] =	vst v0  }
0x26: {  	[tilespmem:s10], [sflag:$0x3] =	stream.linear.gather [hbm4b:s5+s24], $0x800, $0x38;
	[tilespmem:$0x11B00] =	vst v63  }
0x27: {  	s25 =	simm.s32 $0x0  }
0x28: {  	[tilespmem:s24], [sflag:$0x1] =	stream.strided.gather [hbm4b:s6+s11], $0x8000, s12, s11, $0x38;
	[tilespmem:$0x11B00] =	vst v63  }
.LBB2_4:
0x29: {  	s26 =	sshll.u32 s25, $0xC  }
0x2a: {  	s0 =	sor.u32 $0x800, s26  }
0x2b: {  	s28 =	sadd.s32 s4, s0  }
0x2c: {  	s28 =	sshrl.u32 s28, $0x3  }
0x2d: {  	s28 =	sadd.s32 s1, s28  }
0x2e: {  	[tilespmem:s13], [sflag:$0x4] =	stream.linear.gather [hbm4b:s28+s24], $0x800, $0x38;
	[tilespmem:$0x11B00] =	vst v63  }
0x2f: {  	s0 =	sadd.s32 s0, s6  }
0x30: {  	[tilespmem:s14], [sflag:$0x2] =	stream.strided.gather [hbm4b:s0+s11], $0x8000, s12, s11, $0x38;
	[tilespmem:$0x11B00] =	vst v63  }
0x31: {  	_ =	swait.ge [sflag:s15], $0x800  }
0x32: {  	[sflag:s15] =	ssyncset.done $0x0  }
0x33: {  	[sflag:s15] =	ssyncadd.s32 $0xFFFFF800  }
0x34: {  	_ =	swait.ge [sflag:s16], $0x8000  }
0x35: {  	[sflag:s16] =	ssyncset.done $0x0  }
0x36: {  	s2 =	simm.s32 $0x10000;
	[sflag:s16] =	ssyncadd.s32 $0xFFFF8000  }
0x37: {  	v2 =	vld [tilespmem:s2+$0x0];
	_ =	sdelay $0x5  }
0x38: {  	s28 =	simm.s32 $0x0  }
0x39: {  	s29 =	sand.u32 $0x3C00, s24;
	s2 =	sand.u32 $0x70, s28  }
0x3a: {  	s0 =	sor.u32 s2, s29;
	[tilespmem:v2+s17+$0x0] =	vst.idx.add.f32.msk $0xffff, v1  }
0x3b: {  	v4 =	vld [tilespmem:s0+$0x4100]  }
0x3c: {  	s29 =	sand.u32 $0x7, s24;
	v3 =	vld [tilespmem:s0+$0x4380]  }
0x3d: {  	s29 =	sshll.u32 s29, $0x4;
	v7 =	vld [tilespmem:s0+$0x4080]  }
0x3e: {  	s29 =	sadd.s32 $0x0, s29;
	v5 =	vld [tilespmem:s0+$0x4300]  }
0x3f: {  	s29 =	sor.u32 $0x380, s29;
	v6 =	vld [tilespmem:s0+$0x4280]  }
0x40: {  	v10 =	vld [tilespmem:s29+$0x0]  }
0x41: {  	v12 =	vld [tilespmem:s0+$0x280]  }
0x42: {  	v14 =	vld [tilespmem:s0+$0x100]  }
0x43: {  	v13 =	vld [tilespmem:s0+$0x180]  }
0x44: {  	v9 =	vld [tilespmem:s0+$0x4200]  }
0x45: {  	v11 =	vld [tilespmem:s0+$0x4000]  }
0x46: {  	s30 =	simm.s32 $0x0;
	s31 =	simm.s32 $0x0;
	v8 =	vadd.s32 $0xA0, v2;
	v15 =	vld [tilespmem:s0+$0x80];
	s29 =	simm.s32 $0x10010  }
.LBB2_5:
0x47: {  	s28 =	sadd.s32 $0x10, s28;
	v16 =	vld [tilespmem:s0+$0x0];
	s30 =	sadd.s32 $0x80, s30;
	s31 =	sadd.s32 $0x1, s31  }
0x48: {  	v18 =	vadd.s32 $0x140, v2;
	s2 =	sand.u32 $0x70, s28;
	p0 =	slt.u32 s28, $0x7F0;
	v17 =	vld [tilespmem:s0+$0x200]  }
0x49: {  	v20 =	vadd.s32 $0x1E0, v2;
	v19 =	vld [tilespmem:s0+$0x300]  }
0x4a: {  	v22 =	vadd.s32 $0x280, v2;
	v21 =	vld [tilespmem:s0+$0x4180]  }
0x4b: {  	v24 =	vadd.s32 $0x320, v2;
	v23 =	vld [tilespmem:s29+$0x0]  }
0x4c: {  	[tilespmem:v2+s18+$0x0] =	vst.idx.add.f32.msk $0xffff, v16;
	v16 =	vadd.s32 $0x3C0, v2  }
0x4d: {  	[tilespmem:v8+s18+$0x0] =	vst.idx.add.f32.msk $0xffff, v15;
	v15 =	vadd.s32 $0x460, v2  }
0x4e: {  	[tilespmem:v18+s18+$0x0] =	vst.idx.add.f32.msk $0xffff, v14;
	v14 =	vadd.s32 $0x500, v2  }
0x4f: {  	[tilespmem:v20+s18+$0x0] =	vst.idx.add.f32.msk $0xffff, v13;
	v13 =	vadd.s32 $0x5A0, v2  }
0x50: {  	v8 =	vadd.s32 $0xA0, v23;
	[tilespmem:v22+s18+$0x0] =	vst.idx.add.f32.msk $0xffff, v17;
	v17 =	vadd.s32 $0x640, v2  }
0x51: {  	[tilespmem:v24+s18+$0x0] =	vst.idx.add.f32.msk $0xffff, v12;
	v12 =	vadd.s32 $0x6E0, v2  }
0x52: {  	[tilespmem:v16+s18+$0x0] =	vst.idx.add.f32.msk $0xffff, v19;
	v16 =	vadd.s32 $0x780, v2  }
0x53: {  	[tilespmem:v15+s18+$0x0] =	vst.idx.add.f32.msk $0xffff, v10;
	v10 =	vadd.s32 $0x820, v2  }
0x54: {  	[tilespmem:v14+s18+$0x0] =	vst.idx.add.f32.msk $0xffff, v11;
	v11 =	vadd.s32 $0x8C0, v2  }
0x55: {  	[tilespmem:v13+s18+$0x0] =	vst.idx.add.f32.msk $0xffff, v7;
	v7 =	vadd.s32 $0x960, v2;
	v2 =	vmov v23  }
0x56: {  	[tilespmem:v17+s18+$0x0] =	vst.idx.add.f32.msk $0xffff, v4  }
0x57: {  	[tilespmem:v12+s18+$0x0] =	vst.idx.add.f32.msk $0xffff, v21  }
0x58: {  	[tilespmem:v16+s18+$0x0] =	vst.idx.add.f32.msk $0xffff, v9  }
0x59: {  	[tilespmem:v10+s18+$0x0] =	vst.idx.add.f32.msk $0xffff, v6  }
0x5a: {  	[tilespmem:v11+s18+$0x0] =	vst.idx.add.f32.msk $0xffff, v5  }
0x5b: {  	s0 =	sand.u32 $0x3C00, s30;
	[tilespmem:v7+s18+$0x0] =	vst.idx.add.f32.msk $0xffff, v3  }
0x5c: {  	s0 =	sor.u32 s2, s0;
	[tilespmem:v23+s17+$0x0] =	vst.idx.add.f32.msk $0xffff, v1  }
0x5d: {  	v4 =	vld [tilespmem:s0+$0x4100]  }
0x5e: {  	s2 =	sand.u32 $0x7, s31;
	v3 =	vld [tilespmem:s0+$0x4380]  }
0x5f: {  	s2 =	sshll.u32 s2, $0x4;
	v7 =	vld [tilespmem:s0+$0x4080]  }
0x60: {  	s2 =	sadd.s32 s2, s30;
	v5 =	vld [tilespmem:s0+$0x4300]  }
0x61: {  	s2 =	sor.u32 $0x380, s2;
	v6 =	vld [tilespmem:s0+$0x4280]  }
0x62: {  	v10 =	vld [tilespmem:s2+$0x0]  }
0x63: {  	v12 =	vld [tilespmem:s0+$0x280]  }
.Ltmp1:
0x64: {  	v14 =	vld [tilespmem:s0+$0x100];
	(pc) =	sbr.rel @p0 .LBB2_5-.Ltmp1, $4  }
0x65: {  	v13 =	vld [tilespmem:s0+$0x180]  }
0x66: {  	v9 =	vld [tilespmem:s0+$0x4200]  }
0x67: {  	v11 =	vld [tilespmem:s0+$0x4000]  }
0x68: {  	s29 =	sadd.s32 $0x10, s29;
	v15 =	vld [tilespmem:s0+$0x80]  }
0x69: {  	v16 =	vld [tilespmem:s0+$0x0];
	_ =	sdelay $0x1  }
0x6a: {  	v17 =	vld [tilespmem:s0+$0x200];
	v18 =	vadd.s32 $0x140, v2  }
0x6b: {  	v19 =	vld [tilespmem:s0+$0x300];
	v20 =	vadd.s32 $0x1E0, v2  }
0x6c: {  	v21 =	vld [tilespmem:s0+$0x4180];
	v22 =	vadd.s32 $0x280, v2  }
0x6d: {  	v23 =	vadd.s32 $0x320, v2;
	[tilespmem:v2+s18+$0x0] =	vst.idx.add.f32.msk $0xffff, v16  }
0x6e: {  	v16 =	vadd.s32 $0x3C0, v2;
	[tilespmem:v8+s18+$0x0] =	vst.idx.add.f32.msk $0xffff, v15  }
0x6f: {  	v8 =	vadd.s32 $0x460, v2;
	[tilespmem:v18+s18+$0x0] =	vst.idx.add.f32.msk $0xffff, v14  }
0x70: {  	v14 =	vadd.s32 $0x500, v2;
	[tilespmem:v20+s18+$0x0] =	vst.idx.add.f32.msk $0xffff, v13  }
0x71: {  	v13 =	vadd.s32 $0x5A0, v2;
	[tilespmem:v22+s18+$0x0] =	vst.idx.add.f32.msk $0xffff, v17  }
0x72: {  	v15 =	vadd.s32 $0x640, v2;
	[tilespmem:v23+s18+$0x0] =	vst.idx.add.f32.msk $0xffff, v12  }
0x73: {  	v12 =	vadd.s32 $0x6E0, v2;
	[tilespmem:v16+s18+$0x0] =	vst.idx.add.f32.msk $0xffff, v19  }
0x74: {  	v16 =	vadd.s32 $0x780, v2;
	[tilespmem:v8+s18+$0x0] =	vst.idx.add.f32.msk $0xffff, v10  }
0x75: {  	v8 =	vadd.s32 $0x820, v2;
	[tilespmem:v14+s18+$0x0] =	vst.idx.add.f32.msk $0xffff, v11  }
0x76: {  	v10 =	vadd.s32 $0x8C0, v2;
	[tilespmem:v13+s18+$0x0] =	vst.idx.add.f32.msk $0xffff, v7  }
0x77: {  	v2 =	vadd.s32 $0x960, v2;
	[tilespmem:v15+s18+$0x0] =	vst.idx.add.f32.msk $0xffff, v4  }
0x78: {  	p0 =	seq.s32 s25, $0x9;
	[tilespmem:v12+s18+$0x0] =	vst.idx.add.f32.msk $0xffff, v21  }
0x79: {  	s0 =	sadd.s32 @!p0 $0x1000, s26;
	[tilespmem:v16+s18+$0x0] =	vst.idx.add.f32.msk $0xffff, v9  }
0x7a: {  	s2 =	sadd.s32 @!p0 s4, s0;
	[tilespmem:v8+s18+$0x0] =	vst.idx.add.f32.msk $0xffff, v6  }
0x7b: {  	s2 =	sshrl.u32 @!p0 s2, $0x3;
	[tilespmem:v10+s18+$0x0] =	vst.idx.add.f32.msk $0xffff, v5  }
0x7c: {  	s26 =	simm.s32 @!p0 $0x0;
	s28 =	simm.s32 @!p0 $0x10000;
	s2 =	sadd.s32 @!p0 s1, s2;
	[tilespmem:v2+s18+$0x0] =	vst.idx.add.f32.msk $0xffff, v3  }
0x7d: {  	[tilespmem:s28], [sflag:$0x3] =	stream.linear.gather @!p0 [hbm4b:s2+s26], $0x800, $0x38;
	[tilespmem:$0x11B00] =	vst v63  }
0x7e: {  	s0 =	sadd.s32 @!p0 s0, s6;
	s2 =	simm.s32 @!p0 $0x4000;
	s28 =	simm.s32 @!p0 $0x200000  }
0x7f: {  	[tilespmem:s26], [sflag:$0x1] =	stream.strided.gather @!p0 [hbm4b:s0+s2], $0x8000, s28, s2, $0x38;
	[tilespmem:$0x11B00] =	vst v63  }
0x80: {  	_ =	swait.ge [sflag:s19], $0x800  }
0x81: {  	[sflag:s19] =	ssyncset.done $0x0  }
0x82: {  	[sflag:s19] =	ssyncadd.s32 $0xFFFFF800  }
0x83: {  	_ =	swait.ge [sflag:s20], $0x8000  }
0x84: {  	[sflag:s20] =	ssyncset.done $0x0  }
0x85: {  	s31 =	simm.s32 $0x10800;
	[sflag:s20] =	ssyncadd.s32 $0xFFFF8000  }
0x86: {  	v2 =	vld [tilespmem:s31+$0x0];
	_ =	sdelay $0x5  }
0x87: {  	s26 =	simm.s32 $0x0;
	s28 =	simm.s32 $0x0  }
0x88: {  	s2 =	sand.u32 $0x70, s28;
	s31 =	sand.u32 $0x3C00, s26  }
0x89: {  	s0 =	sor.u32 s2, s31;
	[tilespmem:v2+s17+$0x0] =	vst.idx.add.f32.msk $0xffff, v1  }
0x8a: {  	v4 =	vld [tilespmem:s0+$0xC100]  }
0x8b: {  	s31 =	sand.u32 $0x7, s26;
	v3 =	vld [tilespmem:s0+$0xC380]  }
0x8c: {  	s2 =	sshll.u32 s31, $0x4;
	v7 =	vld [tilespmem:s0+$0xC080]  }
0x8d: {  	s2 =	sadd.s32 $0x0, s2;
	v5 =	vld [tilespmem:s0+$0xC300]  }
0x8e: {  	s2 =	sor.u32 $0x380, s2;
	v6 =	vld [tilespmem:s0+$0xC280]  }
0x8f: {  	v10 =	vld [tilespmem:s2+$0x8000]  }
0x90: {  	v12 =	vld [tilespmem:s0+$0x8280]  }
0x91: {  	v14 =	vld [tilespmem:s0+$0x8100]  }
0x92: {  	v13 =	vld [tilespmem:s0+$0x8180]  }
0x93: {  	v9 =	vld [tilespmem:s0+$0xC200]  }
0x94: {  	v11 =	vld [tilespmem:s0+$0xC000]  }
0x95: {  	s29 =	simm.s32 $0x10810;
	s30 =	simm.s32 $0x0;
	v8 =	vadd.s32 $0xA0, v2;
	v15 =	vld [tilespmem:s0+$0x8080]  }
.LBB2_7:
0x96: {  	s28 =	sadd.s32 $0x10, s28;
	v16 =	vld [tilespmem:s0+$0x8000];
	s26 =	sadd.s32 $0x80, s26;
	s30 =	sadd.s32 $0x1, s30  }
0x97: {  	v18 =	vadd.s32 $0x140, v2;
	s2 =	sand.u32 $0x70, s28;
	p0 =	slt.u32 s28, $0x7F0;
	v17 =	vld [tilespmem:s0+$0x8200]  }
0x98: {  	v20 =	vadd.s32 $0x1E0, v2;
	v19 =	vld [tilespmem:s0+$0x8300]  }
0x99: {  	v22 =	vadd.s32 $0x280, v2;
	v21 =	vld [tilespmem:s0+$0xC180]  }
0x9a: {  	v24 =	vadd.s32 $0x320, v2;
	v23 =	vld [tilespmem:s29+$0x0]  }
0x9b: {  	[tilespmem:v2+s18+$0x0] =	vst.idx.add.f32.msk $0xffff, v16;
	v16 =	vadd.s32 $0x3C0, v2  }
0x9c: {  	[tilespmem:v8+s18+$0x0] =	vst.idx.add.f32.msk $0xffff, v15;
	v15 =	vadd.s32 $0x460, v2  }
0x9d: {  	[tilespmem:v18+s18+$0x0] =	vst.idx.add.f32.msk $0xffff, v14;
	v14 =	vadd.s32 $0x500, v2  }
0x9e: {  	[tilespmem:v20+s18+$0x0] =	vst.idx.add.f32.msk $0xffff, v13;
	v13 =	vadd.s32 $0x5A0, v2  }
0x9f: {  	v8 =	vadd.s32 $0xA0, v23;
	[tilespmem:v22+s18+$0x0] =	vst.idx.add.f32.msk $0xffff, v17;
	v17 =	vadd.s32 $0x640, v2  }
0xa0: {  	[tilespmem:v24+s18+$0x0] =	vst.idx.add.f32.msk $0xffff, v12;
	v12 =	vadd.s32 $0x6E0, v2  }
0xa1: {  	[tilespmem:v16+s18+$0x0] =	vst.idx.add.f32.msk $0xffff, v19;
	v16 =	vadd.s32 $0x780, v2  }
0xa2: {  	[tilespmem:v15+s18+$0x0] =	vst.idx.add.f32.msk $0xffff, v10;
	v10 =	vadd.s32 $0x820, v2  }
0xa3: {  	[tilespmem:v14+s18+$0x0] =	vst.idx.add.f32.msk $0xffff, v11;
	v11 =	vadd.s32 $0x8C0, v2  }
0xa4: {  	[tilespmem:v13+s18+$0x0] =	vst.idx.add.f32.msk $0xffff, v7;
	v7 =	vadd.s32 $0x960, v2;
	v2 =	vmov v23  }
0xa5: {  	[tilespmem:v17+s18+$0x0] =	vst.idx.add.f32.msk $0xffff, v4  }
0xa6: {  	[tilespmem:v12+s18+$0x0] =	vst.idx.add.f32.msk $0xffff, v21  }
0xa7: {  	[tilespmem:v16+s18+$0x0] =	vst.idx.add.f32.msk $0xffff, v9  }
0xa8: {  	[tilespmem:v10+s18+$0x0] =	vst.idx.add.f32.msk $0xffff, v6  }
0xa9: {  	[tilespmem:v11+s18+$0x0] =	vst.idx.add.f32.msk $0xffff, v5  }
0xaa: {  	s0 =	sand.u32 $0x3C00, s26;
	[tilespmem:v7+s18+$0x0] =	vst.idx.add.f32.msk $0xffff, v3  }
0xab: {  	s0 =	sor.u32 s2, s0;
	[tilespmem:v23+s17+$0x0] =	vst.idx.add.f32.msk $0xffff, v1  }
0xac: {  	v4 =	vld [tilespmem:s0+$0xC100]  }
0xad: {  	s2 =	sand.u32 $0x7, s30;
	v3 =	vld [tilespmem:s0+$0xC380]  }
0xae: {  	s2 =	sshll.u32 s2, $0x4;
	v7 =	vld [tilespmem:s0+$0xC080]  }
0xaf: {  	s2 =	sadd.s32 s2, s26;
	v5 =	vld [tilespmem:s0+$0xC300]  }
0xb0: {  	s2 =	sor.u32 $0x380, s2;
	v6 =	vld [tilespmem:s0+$0xC280]  }
0xb1: {  	v10 =	vld [tilespmem:s2+$0x8000]  }
0xb2: {  	v12 =	vld [tilespmem:s0+$0x8280]  }
.Ltmp2:
0xb3: {  	v14 =	vld [tilespmem:s0+$0x8100];
	(pc) =	sbr.rel @p0 .LBB2_7-.Ltmp2, $4  }
0xb4: {  	v13 =	vld [tilespmem:s0+$0x8180]  }
0xb5: {  	v9 =	vld [tilespmem:s0+$0xC200]  }
0xb6: {  	v11 =	vld [tilespmem:s0+$0xC000]  }
0xb7: {  	s29 =	sadd.s32 $0x10, s29;
	v15 =	vld [tilespmem:s0+$0x8080]  }
0xb8: {  	v16 =	vld [tilespmem:s0+$0x8000];
	_ =	sdelay $0x1  }
0xb9: {  	v17 =	vld [tilespmem:s0+$0x8200];
	v18 =	vadd.s32 $0x140, v2  }
0xba: {  	v19 =	vld [tilespmem:s0+$0x8300];
	v20 =	vadd.s32 $0x1E0, v2  }
0xbb: {  	v21 =	vld [tilespmem:s0+$0xC180];
	v22 =	vadd.s32 $0x280, v2  }
0xbc: {  	v23 =	vadd.s32 $0x320, v2;
	[tilespmem:v2+s18+$0x0] =	vst.idx.add.f32.msk $0xffff, v16  }
0xbd: {  	v55 =	vadd.s32 $0x3C0, v2;
	[tilespmem:v8+s18+$0x0] =	vst.idx.add.f32.msk $0xffff, v15  }
0xbe: {  	v56 =	vadd.s32 $0x460, v2;
	[tilespmem:v18+s18+$0x0] =	vst.idx.add.f32.msk $0xffff, v14  }
0xbf: {  	v57 =	vadd.s32 $0x500, v2;
	[tilespmem:v20+s18+$0x0] =	vst.idx.add.f32.msk $0xffff, v13  }
0xc0: {  	v58 =	vadd.s32 $0x5A0, v2;
	[tilespmem:v22+s18+$0x0] =	vst.idx.add.f32.msk $0xffff, v17  }
0xc1: {  	v59 =	vadd.s32 $0x640, v2;
	[tilespmem:v23+s18+$0x0] =	vst.idx.add.f32.msk $0xffff, v12  }
0xc2: {  	v60 =	vadd.s32 $0x6E0, v2;
	[tilespmem:v55+s18+$0x0] =	vst.idx.add.f32.msk $0xffff, v19  }
0xc3: {  	v61 =	vadd.s32 $0x780, v2;
	[tilespmem:v56+s18+$0x0] =	vst.idx.add.f32.msk $0xffff, v10  }
0xc4: {  	v62 =	vadd.s32 $0x820, v2;
	[tilespmem:v57+s18+$0x0] =	vst.idx.add.f32.msk $0xffff, v11  }
0xc5: {  	v63 =	vadd.s32 $0x8C0, v2;
	s25 =	sadd.s32 $0x1, s25;
	[tilespmem:v58+s18+$0x0] =	vst.idx.add.f32.msk $0xffff, v7  }
0xc6: {  	p0 =	sne.s32 s25, $0xA;
	v2 =	vadd.s32 $0x960, v2;
	[tilespmem:v59+s18+$0x0] =	vst.idx.add.f32.msk $0xffff, v4  }
.Ltmp3:
0xc7: {  	[tilespmem:v60+s18+$0x0] =	vst.idx.add.f32.msk $0xffff, v21;
	(pc) =	sbr.rel @p0 .LBB2_4-.Ltmp3, $4  }
0xc8: {  	[tilespmem:v61+s18+$0x0] =	vst.idx.add.f32.msk $0xffff, v9  }
0xc9: {  	[tilespmem:v62+s18+$0x0] =	vst.idx.add.f32.msk $0xffff, v6  }
0xca: {  	[tilespmem:v63+s18+$0x0] =	vst.idx.add.f32.msk $0xffff, v5  }
0xcb: {  	[tilespmem:v2+s18+$0x0] =	vst.idx.add.f32.msk $0xffff, v3  }
0xcc: {  	[hbm4b:s7+s21] =	stream.strided.scatter [tilespmem:s18], [sflag:$0x5], $0xA00, s22, s21, $0x38;
	[tilespmem:$0x11B00] =	vst v63  }
0xcd: {  	s3 =	sadd.s32 $0x1, s3;
	_ =	swait.ge [sflag:s23], $0xA00  }
0xce: {  	p0 =	sne.s32 s3, s9;
	[sflag:s23] =	ssyncset.done $0x0  }
.Ltmp4:
0xcf: {  	[sflag:s23] =	ssyncadd.s32 $0xFFFFF600;
	(pc) =	sbr.rel @p0 .LBB2_1-.Ltmp4, $4  }
0xd0: {  	[hbm4b:s8+s21] =	stream.strided.scatter [tilespmem:s17], [sflag:$0x5], $0x100, s22, s21, $0x38;
	[tilespmem:$0x11B00] =	vst v63  }
0xd1: {  	_ =	swait.ge [sflag:s23], $0x100  }
0xd2: {  	[sflag:s23] =	ssyncset.done $0x0  }
0xd3: {  	[sflag:s23] =	ssyncadd.s32 $0xFFFFFF00  }
0xd4: {  	_ =	sfence.sel $0x180000  }
0xd5: {  	[bflag:$0x0] =	sbarrier.arrive $0xFFFF  }
0xd6: {  	_ =	strace $0x90000047  }
0xd7: {  	s0 =	stileid.u32;
	[bflag:$0x2] =	sbarrier.arrive $0xFFFF  }
0xd8: {  	p0 =	sne.s32 s0, $0x0;
	s0 =	rddreg [dreg:$0x4]  }
0xd9: {  	s0 =	sadd.s32 @!p0 $0x100000, s0  }
0xda: {  	[sflag:s0] =	ssyncadd.tile.s32 @!p0 $0x1;
	_ =	shalt  }
.Lfunc_end2:
_tile_overlayer_lowered:
.L_overlay_start_2:
0xdb: {  	(tag) =	ssettag $0x2  }
0xdc: {  	s0 =	rddreg [dreg:$0x0];
	s2 =	stileid.u32  }
0xdd: {  	s1 =	rddreg [dreg:$0x1];
	p0 =	sne.s32 s2, $0x0  }
0xde: {  	s3 =	rddreg [dreg:$0x2];
	[bflag:$0x3] =	sbarrier.arrive $0xFFFF;
	s2 =	simm.s32 @!p0 $0x1C05  }
0xdf: {  	[timem:s3], [sflag:s2] =	dma.local @!p0 [hbm:s0], s1  }
0xe0: {  	s0 =	simm.s32 @!p0 $0x5  }
0xe1: {  	_ =	swait.ge @!p0 [sflag:s0], s1  }
0xe2: {  	s1 =	ssub.s32 @!p0 $0x0, s1;
	[sflag:s0] =	ssyncset.done @!p0 $0x0  }
0xe3: {  	[sflag:s0] =	ssyncadd.s32 @!p0 s1  }
0xe4: {  	[bflag:$0x3] =	sbarrier.arrive $0xFFFF  }
0xe5: {  	_ =	shalt  }

</sc_bundles>
